<compile_context>
chip_gen: v7x
topology: tpu7x:2x2x1
jax: 0.10.2.dev20260603
libtpu: 0.0.44.dev20260713+nightly
codegen_flags: <defaults>
</compile_context>

<pallas_src>
import jax
import jax.numpy as jnp
from jax import lax
from jax.experimental import pallas as pl
from jax.experimental.pallas import tpu as pltpu
from jax.experimental.pallas import tpu_sc as plsc

NC = 2
NS = 16
NW = NC * NS
B = 16384
D = 64
V = 100000
ROWS_PER_W = B // NW
CHUNK = 128
NCHUNK = ROWS_PER_W // CHUNK
INV_B = 1.0 / B
PW = 16384
FW = 16384


def _tpose_pad_body(x_ref, out_ref):
    out_ref[:, 0:D] = x_ref[...].T


def _row_major_pad(x_t, n_rows, w):
    return pl.pallas_call(
        _tpose_pad_body,
        grid=((n_rows + w - 1) // w,),
        in_specs=[pl.BlockSpec((D, w), lambda i: (0, i))],
        out_specs=pl.BlockSpec((w, 128), lambda i: (i, 0)),
        out_shape=jax.ShapeDtypeStruct((n_rows, 128), jnp.float32),
    )(x_t)


def _sc_body(labels_hbm, feat_hbm, table_hbm, out_hbm,
             lab_v, feat_v, rows_v0, rows_v1, acc_v,
             gsem0, gsem1, fsem):
    wid = lax.axis_index("s") * NC + lax.axis_index("c")
    base = wid * ROWS_PER_W

    f = pltpu.async_copy(feat_hbm.at[pl.ds(base, ROWS_PER_W)], feat_v, fsem)
    pltpu.sync_copy(labels_hbm.at[pl.ds(wid * NCHUNK, NCHUNK)], lab_v)

    rows_bufs = [rows_v0, rows_v1]
    gsems = [gsem0, gsem1]

    def start(j):
        return pltpu.async_copy(table_hbm.at[lab_v.at[j]], rows_bufs[j % 2],
                                gsems[j % 2])

    accs = [jnp.zeros((16,), jnp.float32) for _ in range(8)]
    pend = start(0)
    f.wait()
    for j in range(NCHUNK):
        nxt = start(j + 1) if j + 1 < NCHUNK else None
        pend.wait()
        rb = rows_bufs[j % 2]
        foff = j * CHUNK

        def pair_body(t, carry):
            outs = list(carry)
            for half in range(2):
                for c in range(4):
                    fv = feat_v[foff + 2 * t + half, pl.ds(c * 16, 16)]
                    pv = rb[2 * t + half, pl.ds(c * 16, 16)]
                    d = jnp.abs(fv - pv)
                    m = jnp.minimum(d, 1.0)
                    k = half * 4 + c
                    outs[k] = outs[k] + m * (d - 0.5 * m)
            return tuple(outs)

        accs = list(lax.fori_loop(0, CHUNK // 2, pair_body, tuple(accs)))
        pend = nxt

    for k in range(8):
        acc_v[pl.ds(k * 16, 16)] = accs[k] * INV_B
    pltpu.sync_copy(acc_v, out_hbm.at[wid])


@jax.jit
def kernel(features, proxy, labels):
    labels2d = labels.astype(jnp.int32).reshape(B // CHUNK, CHUNK)
    table128 = _row_major_pad(proxy.T, V, PW)
    feat128 = _row_major_pad(features.T, B, FW)
    run = pl.kernel(
        _sc_body,
        out_type=jax.ShapeDtypeStruct((NW, 128), jnp.float32),
        mesh=plsc.VectorSubcoreMesh(core_axis_name="c", subcore_axis_name="s"),
        compiler_params=pltpu.CompilerParams(
            use_tc_tiling_on_sc=True, needs_layout_passes=False),
        scratch_types=[
            pltpu.VMEM((NCHUNK, CHUNK), jnp.int32),
            pltpu.VMEM((ROWS_PER_W, 128), jnp.float32),
            pltpu.VMEM((CHUNK, 128), jnp.float32),
            pltpu.VMEM((CHUNK, 128), jnp.float32),
            pltpu.VMEM((128,), jnp.float32),
            pltpu.SemaphoreType.DMA,
            pltpu.SemaphoreType.DMA,
            pltpu.SemaphoreType.DMA,
        ],
    )
    partials = run(labels2d, feat128, table128)
    return jnp.sum(partials)

# --- scband reference (transcript-rebuilt; emitter-appended) ---
"""Pipeline reference for scband-prototype-loss-24369644438241 (READ-ONLY COPY).

The authoritative reference and input builder live on the scoring server;
editing this copy changes nothing except your own understanding.
"""

import jax, jax.numpy as jnp
import numpy as np


def setup_inputs(seed: int = 0) -> dict:
    key = jax.random.key(seed)
    k1, k2, k3 = jax.random.split(key, 3)
    features = jax.random.normal(k1, (16384, 64), dtype=jnp.float32)
    proxy = jax.random.normal(k2, (100000, 64), dtype=jnp.float32)
    labels = jax.random.randint(k3, (16384,), 0, 100000, dtype=jnp.int64 if jax.config.jax_enable_x64 else jnp.int32)
    return {"features": features, "proxy": proxy, "labels": labels}


def huber_loss(inp, target, sigma=1):
    beta = 1.0 / sigma ** 2
    diff = jnp.abs(inp - target)
    cond = diff < beta
    loss = jnp.where(cond, 0.5 * diff ** 2 / beta, diff - 0.5 * beta)
    return jnp.sum(loss, axis=1)


def reference(features, proxy, labels):
    label_prototypes = jnp.take(proxy, labels, axis=0)
    pl = huber_loss(features, label_prototypes, sigma=1)
    pl_loss = jnp.mean(pl)
    return pl_loss

if __name__ == "__main__":
    import jax
    _d = setup_inputs()
    print(jax.jit(kernel)(*tuple(_d.values())))

</pallas_src>

<mosaic_0001>
#map = affine_map<(d0, d1) -> (0, 0)>
module attributes {stable_mosaic.version = 14 : i64} {
  func.func @_sc_body(%arg0: i32, %arg1: i32, %arg2: memref<128x128xi32, #tpu.memory_space<hbm>>, %arg3: memref<16384x128xf32, #tpu.memory_space<hbm>>, %arg4: memref<100000x128xf32, #tpu.memory_space<hbm>>, %arg5: memref<32x128xf32, #tpu.memory_space<hbm>>, %arg6: memref<4x128xi32, #tpu.memory_space<vmem>>, %arg7: memref<512x128xf32, #tpu.memory_space<vmem>>, %arg8: memref<128x128xf32, #tpu.memory_space<vmem>>, %arg9: memref<128x128xf32, #tpu.memory_space<vmem>>, %arg10: memref<128xf32, #tpu.memory_space<vmem>>, %arg11: memref<!tpu.dma_semaphore, #tpu.memory_space<semaphore_mem>>, %arg12: memref<!tpu.dma_semaphore, #tpu.memory_space<semaphore_mem>>, %arg13: memref<!tpu.dma_semaphore, #tpu.memory_space<semaphore_mem>>) attributes {dimension_semantics = [#tpu.dimension_semantics<core_parallel>, #tpu.dimension_semantics<subcore_parallel>], iteration_bounds = array<i64: 2, 16>, scalar_prefetch = 0 : i64, scratch_operands = 8 : i64, tpu.core_type = #tpu.core_type<sc_vector_subcore>, window_params = [{transform_indices = #map}, {transform_indices = #map}, {transform_indices = #map}, {transform_indices = #map}]} {
    %mul3A = arith.constant 2 : i32
    %mul3A_0 = arith.muli %arg1, %mul3A : i32
    %add3A = arith.addi %mul3A_0, %arg0 : i32
    %mul3A_1 = arith.constant 512 : i32
    %mul3A_2 = arith.muli %add3A, %mul3A_1 : i32
    %dma_start3A = arith.constant 0 : i32
    %dma_start3A_3 = tpu.memref_slice %arg3[%mul3A_2, %dma_start3A] : memref<16384x128xf32, #tpu.memory_space<hbm>> -> memref<512x128xf32, #tpu.memory_space<hbm>>
    %dma_start3A_4 = arith.constant 0 : i32
    %dma_start3A_5 = tpu.memref_slice %arg3[%mul3A_2, %dma_start3A_4] : memref<16384x128xf32, #tpu.memory_space<hbm>> -> memref<512x128xf32, #tpu.memory_space<hbm>>
    tpu.enqueue_dma source(%dma_start3A_5 : memref<512x128xf32, #tpu.memory_space<hbm>>) target(%arg7 : memref<512x128xf32, #tpu.memory_space<vmem>>) target_semaphore(%arg13 : memref<!tpu.dma_semaphore, #tpu.memory_space<semaphore_mem>>)
    %mul3A_6 = arith.constant 4 : i32
    %mul3A_7 = arith.muli %add3A, %mul3A_6 : i32
    "tpu.region"() ({
      %run_scoped3A = tpu.sem_alloc : memref<!tpu.dma_semaphore, #tpu.memory_space<semaphore_mem>>
      %dma_start3A_144 = arith.constant 0 : i32
      %dma_start3A_145 = tpu.memref_slice %arg2[%mul3A_7, %dma_start3A_144] : memref<128x128xi32, #tpu.memory_space<hbm>> -> memref<4x128xi32, #tpu.memory_space<hbm>>
      %dma_start3A_146 = arith.constant 0 : i32
      %dma_start3A_147 = tpu.memref_slice %arg2[%mul3A_7, %dma_start3A_146] : memref<128x128xi32, #tpu.memory_space<hbm>> -> memref<4x128xi32, #tpu.memory_space<hbm>>
      tpu.enqueue_dma source(%dma_start3A_147 : memref<4x128xi32, #tpu.memory_space<hbm>>) target(%arg6 : memref<4x128xi32, #tpu.memory_space<vmem>>) target_semaphore(%run_scoped3A : memref<!tpu.dma_semaphore, #tpu.memory_space<semaphore_mem>>)
      %dma_wait3A_148 = arith.constant 0 : i32
      %dma_wait3A_149 = tpu.memref_slice %arg2[%mul3A_7, %dma_wait3A_148] : memref<128x128xi32, #tpu.memory_space<hbm>> -> memref<4x128xi32, #tpu.memory_space<hbm>>
      %dma_wait3A_150 = arith.constant 0 : i32
      %dma_wait3A_151 = tpu.memref_slice %arg2[%mul3A_7, %dma_wait3A_150] : memref<128x128xi32, #tpu.memory_space<hbm>> -> memref<4x128xi32, #tpu.memory_space<hbm>>
      tpu.wait_dma2 semaphore(%run_scoped3A : memref<!tpu.dma_semaphore, #tpu.memory_space<semaphore_mem>>) src(%dma_wait3A_151 : memref<4x128xi32, #tpu.memory_space<hbm>>) dst(%arg6 : memref<4x128xi32, #tpu.memory_space<vmem>>)
      tpu.yield
    }) : () -> ()
    %broadcast_in_dim3A = arith.constant 0.000000e+00 : f32
    %broadcast_in_dim3A_8 = vector.broadcast %broadcast_in_dim3A : f32 to vector<16xf32>
    %broadcast_in_dim3A_9 = arith.constant 0.000000e+00 : f32
    %broadcast_in_dim3A_10 = vector.broadcast %broadcast_in_dim3A_9 : f32 to vector<16xf32>
    %broadcast_in_dim3A_11 = arith.constant 0.000000e+00 : f32
    %broadcast_in_dim3A_12 = vector.broadcast %broadcast_in_dim3A_11 : f32 to vector<16xf32>
    %broadcast_in_dim3A_13 = arith.constant 0.000000e+00 : f32
    %broadcast_in_dim3A_14 = vector.broadcast %broadcast_in_dim3A_13 : f32 to vector<16xf32>
    %broadcast_in_dim3A_15 = arith.constant 0.000000e+00 : f32
    %broadcast_in_dim3A_16 = vector.broadcast %broadcast_in_dim3A_15 : f32 to vector<16xf32>
    %broadcast_in_dim3A_17 = arith.constant 0.000000e+00 : f32
    %broadcast_in_dim3A_18 = vector.broadcast %broadcast_in_dim3A_17 : f32 to vector<16xf32>
    %broadcast_in_dim3A_19 = arith.constant 0.000000e+00 : f32
    %broadcast_in_dim3A_20 = vector.broadcast %broadcast_in_dim3A_19 : f32 to vector<16xf32>
    %broadcast_in_dim3A_21 = arith.constant 0.000000e+00 : f32
    %broadcast_in_dim3A_22 = vector.broadcast %broadcast_in_dim3A_21 : f32 to vector<16xf32>
    %dma_start3A_23 = arith.constant 0 : i32
    %dma_start3A_24 = arith.constant 0 : i32
    %dma_start3A_25 = tpu.memref_slice %arg6[%dma_start3A_23, %dma_start3A_24] : memref<4x128xi32, #tpu.memory_space<vmem>> -> memref<1x128xi32, #tpu.memory_space<vmem>>
    %dma_start3A_26 = tpu.memref_squeeze %dma_start3A_25 : memref<1x128xi32, #tpu.memory_space<vmem>> -> memref<128xi32, #tpu.memory_space<vmem>>
    %dma_start3A_27 = arith.constant 0 : i32
    %dma_start3A_28 = arith.constant 0 : i32
    %dma_start3A_29 = tpu.memref_slice %arg4[%dma_start3A_27, %dma_start3A_28] : memref<100000x128xf32, #tpu.memory_space<hbm>> -> memref<100000x128xf32, #tpu.memory_space<hbm>>
    tpu.enqueue_indirect_dma source(%dma_start3A_29 : memref<100000x128xf32, #tpu.memory_space<hbm>>) target(%arg8 : memref<128x128xf32, #tpu.memory_space<vmem>>) offsets(%dma_start3A_26 : memref<128xi32, #tpu.memory_space<vmem>>) semaphore(%arg11 : memref<!tpu.dma_semaphore, #tpu.memory_space<semaphore_mem>>)
    %dma_wait3A = arith.constant 0 : i32
    %dma_wait3A_30 = tpu.memref_slice %arg3[%mul3A_2, %dma_wait3A] : memref<16384x128xf32, #tpu.memory_space<hbm>> -> memref<512x128xf32, #tpu.memory_space<hbm>>
    %dma_wait3A_31 = arith.constant 0 : i32
    %dma_wait3A_32 = tpu.memref_slice %arg3[%mul3A_2, %dma_wait3A_31] : memref<16384x128xf32, #tpu.memory_space<hbm>> -> memref<512x128xf32, #tpu.memory_space<hbm>>
    tpu.wait_dma2 semaphore(%arg13 : memref<!tpu.dma_semaphore, #tpu.memory_space<semaphore_mem>>) src(%dma_wait3A_32 : memref<512x128xf32, #tpu.memory_space<hbm>>) dst(%arg7 : memref<512x128xf32, #tpu.memory_space<vmem>>)
    %dma_start3A_33 = arith.constant 1 : i32
    %dma_start3A_34 = arith.constant 0 : i32
    %dma_start3A_35 = tpu.memref_slice %arg6[%dma_start3A_33, %dma_start3A_34] : memref<4x128xi32, #tpu.memory_space<vmem>> -> memref<1x128xi32, #tpu.memory_space<vmem>>
    %dma_start3A_36 = tpu.memref_squeeze %dma_start3A_35 : memref<1x128xi32, #tpu.memory_space<vmem>> -> memref<128xi32, #tpu.memory_space<vmem>>
    %dma_start3A_37 = arith.constant 0 : i32
    %dma_start3A_38 = arith.constant 0 : i32
    %dma_start3A_39 = tpu.memref_slice %arg4[%dma_start3A_37, %dma_start3A_38] : memref<100000x128xf32, #tpu.memory_space<hbm>> -> memref<100000x128xf32, #tpu.memory_space<hbm>>
    tpu.enqueue_indirect_dma source(%dma_start3A_39 : memref<100000x128xf32, #tpu.memory_space<hbm>>) target(%arg9 : memref<128x128xf32, #tpu.memory_space<vmem>>) offsets(%dma_start3A_36 : memref<128xi32, #tpu.memory_space<vmem>>) semaphore(%arg12 : memref<!tpu.dma_semaphore, #tpu.memory_space<semaphore_mem>>)
    %dma_wait3A_40 = arith.constant 0 : i32
    %dma_wait3A_41 = arith.constant 0 : i32
    %dma_wait3A_42 = tpu.memref_slice %arg6[%dma_wait3A_40, %dma_wait3A_41] : memref<4x128xi32, #tpu.memory_space<vmem>> -> memref<1x128xi32, #tpu.memory_space<vmem>>
    %dma_wait3A_43 = tpu.memref_squeeze %dma_wait3A_42 : memref<1x128xi32, #tpu.memory_space<vmem>> -> memref<128xi32, #tpu.memory_space<vmem>>
    %dma_wait3A_44 = arith.constant 0 : i32
    %dma_wait3A_45 = arith.constant 0 : i32
    %dma_wait3A_46 = tpu.memref_slice %arg4[%dma_wait3A_44, %dma_wait3A_45] : memref<100000x128xf32, #tpu.memory_space<hbm>> -> memref<100000x128xf32, #tpu.memory_space<hbm>>
    tpu.wait_indirect_dma semaphore(%arg11 : memref<!tpu.dma_semaphore, #tpu.memory_space<semaphore_mem>>) src(%dma_wait3A_46 : memref<100000x128xf32, #tpu.memory_space<hbm>>) dst(%arg8 : memref<128x128xf32, #tpu.memory_space<vmem>>)
    %scan3A = arith.constant 0 : i32
    %scan3A_47 = arith.constant 64 : i32
    %scan3A_48 = arith.addi %scan3A, %scan3A_47 : i32
    %scan3A_49 = arith.constant 1 : i32
    %scan3A_50:8 = scf.for %scan3A_144 = %scan3A to %scan3A_48 step %scan3A_49 iter_args(%scan3A_145 = %broadcast_in_dim3A_8, %scan3A_146 = %broadcast_in_dim3A_10, %scan3A_147 = %broadcast_in_dim3A_12, %scan3A_148 = %broadcast_in_dim3A_14, %scan3A_149 = %broadcast_in_dim3A_16, %scan3A_150 = %broadcast_in_dim3A_18, %scan3A_151 = %broadcast_in_dim3A_20, %scan3A_152 = %broadcast_in_dim3A_22) -> (vector<16xf32>, vector<16xf32>, vector<16xf32>, vector<16xf32>, vector<16xf32>, vector<16xf32>, vector<16xf32>, vector<16xf32>)  : i32 {
      %mul3A_153 = arith.constant 2 : i32
      %mul3A_154 = arith.muli %mul3A_153, %scan3A_144 : i32
      %add3A_155 = arith.constant 0 : i32
      %add3A_156 = arith.addi %add3A_155, %mul3A_154 : i32
      %add3A_157 = arith.constant 0 : i32
      %add3A_158 = arith.addi %add3A_156, %add3A_157 : i32
      %get3A = arith.index_cast %add3A_158 : i32 to index
      %get3A_159 = arith.constant 0 : index
      %get3A_160 = tpu.vector_load %arg7[%get3A, %get3A_159] {strides = array<i32>} : memref<512x128xf32, #tpu.memory_space<vmem>>, vector<16xf32>,
      %mul3A_161 = arith.constant 2 : i32
      %mul3A_162 = arith.muli %mul3A_161, %scan3A_144 : i32
      %add3A_163 = arith.constant 0 : i32
      %add3A_164 = arith.addi %mul3A_162, %add3A_163 : i32
      %get3A_165 = arith.index_cast %add3A_164 : i32 to index
      %get3A_166 = arith.constant 0 : index
      %get3A_167 = tpu.vector_load %arg8[%get3A_165, %get3A_166] {strides = array<i32>} : memref<128x128xf32, #tpu.memory_space<vmem>>, vector<16xf32>,
      %sub3A = arith.subf %get3A_160, %get3A_167 : vector<16xf32>
      %abs3A = math.absf %sub3A : vector<16xf32>
      %min3A = arith.constant 1.000000e+00 : f32
      %min3A_168 = vector.broadcast %min3A : f32 to vector<16xf32>
      %min3A_169 = arith.minimumf %abs3A, %min3A_168 : vector<16xf32>
      %mul3A_170 = arith.constant 5.000000e-01 : f32
      %mul3A_171 = vector.broadcast %mul3A_170 : f32 to vector<16xf32>
      %mul3A_172 = arith.mulf %mul3A_171, %min3A_169 : vector<16xf32>
      %sub3A_173 = arith.subf %abs3A, %mul3A_172 : vector<16xf32>
      %mul3A_174 = arith.mulf %min3A_169, %sub3A_173 : vector<16xf32>
      %add3A_175 = arith.addf %scan3A_145, %mul3A_174 : vector<16xf32>
      %mul3A_176 = arith.constant 2 : i32
      %mul3A_177 = arith.muli %mul3A_176, %scan3A_144 : i32
      %add3A_178 = arith.constant 0 : i32
      %add3A_179 = arith.addi %add3A_178, %mul3A_177 : i32
      %add3A_180 = arith.constant 0 : i32
      %add3A_181 = arith.addi %add3A_179, %add3A_180 : i32
      %get3A_182 = arith.index_cast %add3A_181 : i32 to index
      %get3A_183 = arith.constant 16 : index
      %get3A_184 = tpu.vector_load %arg7[%get3A_182, %get3A_183] {strides = array<i32>} : memref<512x128xf32, #tpu.memory_space<vmem>>, vector<16xf32>,
      %mul3A_185 = arith.constant 2 : i32
      %mul3A_186 = arith.muli %mul3A_185, %scan3A_144 : i32
      %add3A_187 = arith.constant 0 : i32
      %add3A_188 = arith.addi %mul3A_186, %add3A_187 : i32
      %get3A_189 = arith.index_cast %add3A_188 : i32 to index
      %get3A_190 = arith.constant 16 : index
      %get3A_191 = tpu.vector_load %arg8[%get3A_189, %get3A_190] {strides = array<i32>} : memref<128x128xf32, #tpu.memory_space<vmem>>, vector<16xf32>,
      %sub3A_192 = arith.subf %get3A_184, %get3A_191 : vector<16xf32>
      %abs3A_193 = math.absf %sub3A_192 : vector<16xf32>
      %min3A_194 = arith.constant 1.000000e+00 : f32
      %min3A_195 = vector.broadcast %min3A_194 : f32 to vector<16xf32>
      %min3A_196 = arith.minimumf %abs3A_193, %min3A_195 : vector<16xf32>
      %mul3A_197 = arith.constant 5.000000e-01 : f32
      %mul3A_198 = vector.broadcast %mul3A_197 : f32 to vector<16xf32>
      %mul3A_199 = arith.mulf %mul3A_198, %min3A_196 : vector<16xf32>
      %sub3A_200 = arith.subf %abs3A_193, %mul3A_199 : vector<16xf32>
      %mul3A_201 = arith.mulf %min3A_196, %sub3A_200 : vector<16xf32>
      %add3A_202 = arith.addf %scan3A_146, %mul3A_201 : vector<16xf32>
      %mul3A_203 = arith.constant 2 : i32
      %mul3A_204 = arith.muli %mul3A_203, %scan3A_144 : i32
      %add3A_205 = arith.constant 0 : i32
      %add3A_206 = arith.addi %add3A_205, %mul3A_204 : i32
      %add3A_207 = arith.constant 0 : i32
      %add3A_208 = arith.addi %add3A_206, %add3A_207 : i32
      %get3A_209 = arith.index_cast %add3A_208 : i32 to index
      %get3A_210 = arith.constant 32 : index
      %get3A_211 = tpu.vector_load %arg7[%get3A_209, %get3A_210] {strides = array<i32>} : memref<512x128xf32, #tpu.memory_space<vmem>>, vector<16xf32>,
      %mul3A_212 = arith.constant 2 : i32
      %mul3A_213 = arith.muli %mul3A_212, %scan3A_144 : i32
      %add3A_214 = arith.constant 0 : i32
      %add3A_215 = arith.addi %mul3A_213, %add3A_214 : i32
      %get3A_216 = arith.index_cast %add3A_215 : i32 to index
      %get3A_217 = arith.constant 32 : index
      %get3A_218 = tpu.vector_load %arg8[%get3A_216, %get3A_217] {strides = array<i32>} : memref<128x128xf32, #tpu.memory_space<vmem>>, vector<16xf32>,
      %sub3A_219 = arith.subf %get3A_211, %get3A_218 : vector<16xf32>
      %abs3A_220 = math.absf %sub3A_219 : vector<16xf32>
      %min3A_221 = arith.constant 1.000000e+00 : f32
      %min3A_222 = vector.broadcast %min3A_221 : f32 to vector<16xf32>
      %min3A_223 = arith.minimumf %abs3A_220, %min3A_222 : vector<16xf32>
      %mul3A_224 = arith.constant 5.000000e-01 : f32
      %mul3A_225 = vector.broadcast %mul3A_224 : f32 to vector<16xf32>
      %mul3A_226 = arith.mulf %mul3A_225, %min3A_223 : vector<16xf32>
      %sub3A_227 = arith.subf %abs3A_220, %mul3A_226 : vector<16xf32>
      %mul3A_228 = arith.mulf %min3A_223, %sub3A_227 : vector<16xf32>
      %add3A_229 = arith.addf %scan3A_147, %mul3A_228 : vector<16xf32>
      %mul3A_230 = arith.constant 2 : i32
      %mul3A_231 = arith.muli %mul3A_230, %scan3A_144 : i32
      %add3A_232 = arith.constant 0 : i32
      %add3A_233 = arith.addi %add3A_232, %mul3A_231 : i32
      %add3A_234 = arith.constant 0 : i32
      %add3A_235 = arith.addi %add3A_233, %add3A_234 : i32
      %get3A_236 = arith.index_cast %add3A_235 : i32 to index
      %get3A_237 = arith.constant 48 : index
      %get3A_238 = tpu.vector_load %arg7[%get3A_236, %get3A_237] {strides = array<i32>} : memref<512x128xf32, #tpu.memory_space<vmem>>, vector<16xf32>,
      %mul3A_239 = arith.constant 2 : i32
      %mul3A_240 = arith.muli %mul3A_239, %scan3A_144 : i32
      %add3A_241 = arith.constant 0 : i32
      %add3A_242 = arith.addi %mul3A_240, %add3A_241 : i32
      %get3A_243 = arith.index_cast %add3A_242 : i32 to index
      %get3A_244 = arith.constant 48 : index
      %get3A_245 = tpu.vector_load %arg8[%get3A_243, %get3A_244] {strides = array<i32>} : memref<128x128xf32, #tpu.memory_space<vmem>>, vector<16xf32>,
      %sub3A_246 = arith.subf %get3A_238, %get3A_245 : vector<16xf32>
      %abs3A_247 = math.absf %sub3A_246 : vector<16xf32>
      %min3A_248 = arith.constant 1.000000e+00 : f32
      %min3A_249 = vector.broadcast %min3A_248 : f32 to vector<16xf32>
      %min3A_250 = arith.minimumf %abs3A_247, %min3A_249 : vector<16xf32>
      %mul3A_251 = arith.constant 5.000000e-01 : f32
      %mul3A_252 = vector.broadcast %mul3A_251 : f32 to vector<16xf32>
      %mul3A_253 = arith.mulf %mul3A_252, %min3A_250 : vector<16xf32>
      %sub3A_254 = arith.subf %abs3A_247, %mul3A_253 : vector<16xf32>
      %mul3A_255 = arith.mulf %min3A_250, %sub3A_254 : vector<16xf32>
      %add3A_256 = arith.addf %scan3A_148, %mul3A_255 : vector<16xf32>
      %mul3A_257 = arith.constant 2 : i32
      %mul3A_258 = arith.muli %mul3A_257, %scan3A_144 : i32
      %add3A_259 = arith.constant 0 : i32
      %add3A_260 = arith.addi %add3A_259, %mul3A_258 : i32
      %add3A_261 = arith.constant 1 : i32
      %add3A_262 = arith.addi %add3A_260, %add3A_261 : i32
      %get3A_263 = arith.index_cast %add3A_262 : i32 to index
      %get3A_264 = arith.constant 0 : index
      %get3A_265 = tpu.vector_load %arg7[%get3A_263, %get3A_264] {strides = array<i32>} : memref<512x128xf32, #tpu.memory_space<vmem>>, vector<16xf32>,
      %mul3A_266 = arith.constant 2 : i32
      %mul3A_267 = arith.muli %mul3A_266, %scan3A_144 : i32
      %add3A_268 = arith.constant 1 : i32
      %add3A_269 = arith.addi %mul3A_267, %add3A_268 : i32
      %get3A_270 = arith.index_cast %add3A_269 : i32 to index
      %get3A_271 = arith.constant 0 : index
      %get3A_272 = tpu.vector_load %arg8[%get3A_270, %get3A_271] {strides = array<i32>} : memref<128x128xf32, #tpu.memory_space<vmem>>, vector<16xf32>,
      %sub3A_273 = arith.subf %get3A_265, %get3A_272 : vector<16xf32>
      %abs3A_274 = math.absf %sub3A_273 : vector<16xf32>
      %min3A_275 = arith.constant 1.000000e+00 : f32
      %min3A_276 = vector.broadcast %min3A_275 : f32 to vector<16xf32>
      %min3A_277 = arith.minimumf %abs3A_274, %min3A_276 : vector<16xf32>
      %mul3A_278 = arith.constant 5.000000e-01 : f32
      %mul3A_279 = vector.broadcast %mul3A_278 : f32 to vector<16xf32>
      %mul3A_280 = arith.mulf %mul3A_279, %min3A_277 : vector<16xf32>
      %sub3A_281 = arith.subf %abs3A_274, %mul3A_280 : vector<16xf32>
      %mul3A_282 = arith.mulf %min3A_277, %sub3A_281 : vector<16xf32>
      %add3A_283 = arith.addf %scan3A_149, %mul3A_282 : vector<16xf32>
      %mul3A_284 = arith.constant 2 : i32
      %mul3A_285 = arith.muli %mul3A_284, %scan3A_144 : i32
      %add3A_286 = arith.constant 0 : i32
      %add3A_287 = arith.addi %add3A_286, %mul3A_285 : i32
      %add3A_288 = arith.constant 1 : i32
      %add3A_289 = arith.addi %add3A_287, %add3A_288 : i32
      %get3A_290 = arith.index_cast %add3A_289 : i32 to index
      %get3A_291 = arith.constant 16 : index
      %get3A_292 = tpu.vector_load %arg7[%get3A_290, %get3A_291] {strides = array<i32>} : memref<512x128xf32, #tpu.memory_space<vmem>>, vector<16xf32>,
      %mul3A_293 = arith.constant 2 : i32
      %mul3A_294 = arith.muli %mul3A_293, %scan3A_144 : i32
      %add3A_295 = arith.constant 1 : i32
      %add3A_296 = arith.addi %mul3A_294, %add3A_295 : i32
      %get3A_297 = arith.index_cast %add3A_296 : i32 to index
      %get3A_298 = arith.constant 16 : index
      %get3A_299 = tpu.vector_load %arg8[%get3A_297, %get3A_298] {strides = array<i32>} : memref<128x128xf32, #tpu.memory_space<vmem>>, vector<16xf32>,
      %sub3A_300 = arith.subf %get3A_292, %get3A_299 : vector<16xf32>
      %abs3A_301 = math.absf %sub3A_300 : vector<16xf32>
      %min3A_302 = arith.constant 1.000000e+00 : f32
      %min3A_303 = vector.broadcast %min3A_302 : f32 to vector<16xf32>
      %min3A_304 = arith.minimumf %abs3A_301, %min3A_303 : vector<16xf32>
      %mul3A_305 = arith.constant 5.000000e-01 : f32
      %mul3A_306 = vector.broadcast %mul3A_305 : f32 to vector<16xf32>
      %mul3A_307 = arith.mulf %mul3A_306, %min3A_304 : vector<16xf32>
      %sub3A_308 = arith.subf %abs3A_301, %mul3A_307 : vector<16xf32>
      %mul3A_309 = arith.mulf %min3A_304, %sub3A_308 : vector<16xf32>
      %add3A_310 = arith.addf %scan3A_150, %mul3A_309 : vector<16xf32>
      %mul3A_311 = arith.constant 2 : i32
      %mul3A_312 = arith.muli %mul3A_311, %scan3A_144 : i32
      %add3A_313 = arith.constant 0 : i32
      %add3A_314 = arith.addi %add3A_313, %mul3A_312 : i32
      %add3A_315 = arith.constant 1 : i32
      %add3A_316 = arith.addi %add3A_314, %add3A_315 : i32
      %get3A_317 = arith.index_cast %add3A_316 : i32 to index
      %get3A_318 = arith.constant 32 : index
      %get3A_319 = tpu.vector_load %arg7[%get3A_317, %get3A_318] {strides = array<i32>} : memref<512x128xf32, #tpu.memory_space<vmem>>, vector<16xf32>,
      %mul3A_320 = arith.constant 2 : i32
      %mul3A_321 = arith.muli %mul3A_320, %scan3A_144 : i32
      %add3A_322 = arith.constant 1 : i32
      %add3A_323 = arith.addi %mul3A_321, %add3A_322 : i32
      %get3A_324 = arith.index_cast %add3A_323 : i32 to index
      %get3A_325 = arith.constant 32 : index
      %get3A_326 = tpu.vector_load %arg8[%get3A_324, %get3A_325] {strides = array<i32>} : memref<128x128xf32, #tpu.memory_space<vmem>>, vector<16xf32>,
      %sub3A_327 = arith.subf %get3A_319, %get3A_326 : vector<16xf32>
      %abs3A_328 = math.absf %sub3A_327 : vector<16xf32>
      %min3A_329 = arith.constant 1.000000e+00 : f32
      %min3A_330 = vector.broadcast %min3A_329 : f32 to vector<16xf32>
      %min3A_331 = arith.minimumf %abs3A_328, %min3A_330 : vector<16xf32>
      %mul3A_332 = arith.constant 5.000000e-01 : f32
      %mul3A_333 = vector.broadcast %mul3A_332 : f32 to vector<16xf32>
      %mul3A_334 = arith.mulf %mul3A_333, %min3A_331 : vector<16xf32>
      %sub3A_335 = arith.subf %abs3A_328, %mul3A_334 : vector<16xf32>
      %mul3A_336 = arith.mulf %min3A_331, %sub3A_335 : vector<16xf32>
      %add3A_337 = arith.addf %scan3A_151, %mul3A_336 : vector<16xf32>
      %mul3A_338 = arith.constant 2 : i32
      %mul3A_339 = arith.muli %mul3A_338, %scan3A_144 : i32
      %add3A_340 = arith.constant 0 : i32
      %add3A_341 = arith.addi %add3A_340, %mul3A_339 : i32
      %add3A_342 = arith.constant 1 : i32
      %add3A_343 = arith.addi %add3A_341, %add3A_342 : i32
      %get3A_344 = arith.index_cast %add3A_343 : i32 to index
      %get3A_345 = arith.constant 48 : index
      %get3A_346 = tpu.vector_load %arg7[%get3A_344, %get3A_345] {strides = array<i32>} : memref<512x128xf32, #tpu.memory_space<vmem>>, vector<16xf32>,
      %mul3A_347 = arith.constant 2 : i32
      %mul3A_348 = arith.muli %mul3A_347, %scan3A_144 : i32
      %add3A_349 = arith.constant 1 : i32
      %add3A_350 = arith.addi %mul3A_348, %add3A_349 : i32
      %get3A_351 = arith.index_cast %add3A_350 : i32 to index
      %get3A_352 = arith.constant 48 : index
      %get3A_353 = tpu.vector_load %arg8[%get3A_351, %get3A_352] {strides = array<i32>} : memref<128x128xf32, #tpu.memory_space<vmem>>, vector<16xf32>,
      %sub3A_354 = arith.subf %get3A_346, %get3A_353 : vector<16xf32>
      %abs3A_355 = math.absf %sub3A_354 : vector<16xf32>
      %min3A_356 = arith.constant 1.000000e+00 : f32
      %min3A_357 = vector.broadcast %min3A_356 : f32 to vector<16xf32>
      %min3A_358 = arith.minimumf %abs3A_355, %min3A_357 : vector<16xf32>
      %mul3A_359 = arith.constant 5.000000e-01 : f32
      %mul3A_360 = vector.broadcast %mul3A_359 : f32 to vector<16xf32>
      %mul3A_361 = arith.mulf %mul3A_360, %min3A_358 : vector<16xf32>
      %sub3A_362 = arith.subf %abs3A_355, %mul3A_361 : vector<16xf32>
      %mul3A_363 = arith.mulf %min3A_358, %sub3A_362 : vector<16xf32>
      %add3A_364 = arith.addf %scan3A_152, %mul3A_363 : vector<16xf32>
      scf.yield %add3A_175, %add3A_202, %add3A_229, %add3A_256, %add3A_283, %add3A_310, %add3A_337, %add3A_364 : vector<16xf32>, vector<16xf32>, vector<16xf32>, vector<16xf32>, vector<16xf32>, vector<16xf32>, vector<16xf32>, vector<16xf32>
    }
    %scan3A_51 = arith.constant 64 : i32
    %dma_start3A_52 = arith.constant 2 : i32
    %dma_start3A_53 = arith.constant 0 : i32
    %dma_start3A_54 = tpu.memref_slice %arg6[%dma_start3A_52, %dma_start3A_53] : memref<4x128xi32, #tpu.memory_space<vmem>> -> memref<1x128xi32, #tpu.memory_space<vmem>>
    %dma_start3A_55 = tpu.memref_squeeze %dma_start3A_54 : memref<1x128xi32, #tpu.memory_space<vmem>> -> memref<128xi32, #tpu.memory_space<vmem>>
    %dma_start3A_56 = arith.constant 0 : i32
    %dma_start3A_57 = arith.constant 0 : i32
    %dma_start3A_58 = tpu.memref_slice %arg4[%dma_start3A_56, %dma_start3A_57] : memref<100000x128xf32, #tpu.memory_space<hbm>> -> memref<100000x128xf32, #tpu.memory_space<hbm>>
    tpu.enqueue_indirect_dma source(%dma_start3A_58 : memref<100000x128xf32, #tpu.memory_space<hbm>>) target(%arg8 : memref<128x128xf32, #tpu.memory_space<vmem>>) offsets(%dma_start3A_55 : memref<128xi32, #tpu.memory_space<vmem>>) semaphore(%arg11 : memref<!tpu.dma_semaphore, #tpu.memory_space<semaphore_mem>>)
    %dma_wait3A_59 = arith.constant 1 : i32
    %dma_wait3A_60 = arith.constant 0 : i32
    %dma_wait3A_61 = tpu.memref_slice %arg6[%dma_wait3A_59, %dma_wait3A_60] : memref<4x128xi32, #tpu.memory_space<vmem>> -> memref<1x128xi32, #tpu.memory_space<vmem>>
    %dma_wait3A_62 = tpu.memref_squeeze %dma_wait3A_61 : memref<1x128xi32, #tpu.memory_space<vmem>> -> memref<128xi32, #tpu.memory_space<vmem>>
    %dma_wait3A_63 = arith.constant 0 : i32
    %dma_wait3A_64 = arith.constant 0 : i32
    %dma_wait3A_65 = tpu.memref_slice %arg4[%dma_wait3A_63, %dma_wait3A_64] : memref<100000x128xf32, #tpu.memory_space<hbm>> -> memref<100000x128xf32, #tpu.memory_space<hbm>>
    tpu.wait_indirect_dma semaphore(%arg12 : memref<!tpu.dma_semaphore, #tpu.memory_space<semaphore_mem>>) src(%dma_wait3A_65 : memref<100000x128xf32, #tpu.memory_space<hbm>>) dst(%arg9 : memref<128x128xf32, #tpu.memory_space<vmem>>)
    %scan3A_66 = arith.constant 0 : i32
    %scan3A_67 = arith.constant 64 : i32
    %scan3A_68 = arith.addi %scan3A_66, %scan3A_67 : i32
    %scan3A_69 = arith.constant 1 : i32
    %scan3A_70:8 = scf.for %scan3A_144 = %scan3A_66 to %scan3A_68 step %scan3A_69 iter_args(%scan3A_145 = %scan3A_50#0, %scan3A_146 = %scan3A_50#1, %scan3A_147 = %scan3A_50#2, %scan3A_148 = %scan3A_50#3, %scan3A_149 = %scan3A_50#4, %scan3A_150 = %scan3A_50#5, %scan3A_151 = %scan3A_50#6, %scan3A_152 = %scan3A_50#7) -> (vector<16xf32>, vector<16xf32>, vector<16xf32>, vector<16xf32>, vector<16xf32>, vector<16xf32>, vector<16xf32>, vector<16xf32>)  : i32 {
      %mul3A_153 = arith.constant 2 : i32
      %mul3A_154 = arith.muli %mul3A_153, %scan3A_144 : i32
      %add3A_155 = arith.constant 128 : i32
      %add3A_156 = arith.addi %add3A_155, %mul3A_154 : i32
      %add3A_157 = arith.constant 0 : i32
      %add3A_158 = arith.addi %add3A_156, %add3A_157 : i32
      %get3A = arith.index_cast %add3A_158 : i32 to index
      %get3A_159 = arith.constant 0 : index
      %get3A_160 = tpu.vector_load %arg7[%get3A, %get3A_159] {strides = array<i32>} : memref<512x128xf32, #tpu.memory_space<vmem>>, vector<16xf32>,
      %mul3A_161 = arith.constant 2 : i32
      %mul3A_162 = arith.muli %mul3A_161, %scan3A_144 : i32
      %add3A_163 = arith.constant 0 : i32
      %add3A_164 = arith.addi %mul3A_162, %add3A_163 : i32
      %get3A_165 = arith.index_cast %add3A_164 : i32 to index
      %get3A_166 = arith.constant 0 : index
      %get3A_167 = tpu.vector_load %arg9[%get3A_165, %get3A_166] {strides = array<i32>} : memref<128x128xf32, #tpu.memory_space<vmem>>, vector<16xf32>,
      %sub3A = arith.subf %get3A_160, %get3A_167 : vector<16xf32>
      %abs3A = math.absf %sub3A : vector<16xf32>
      %min3A = arith.constant 1.000000e+00 : f32
      %min3A_168 = vector.broadcast %min3A : f32 to vector<16xf32>
      %min3A_169 = arith.minimumf %abs3A, %min3A_168 : vector<16xf32>
      %mul3A_170 = arith.constant 5.000000e-01 : f32
      %mul3A_171 = vector.broadcast %mul3A_170 : f32 to vector<16xf32>
      %mul3A_172 = arith.mulf %mul3A_171, %min3A_169 : vector<16xf32>
      %sub3A_173 = arith.subf %abs3A, %mul3A_172 : vector<16xf32>
      %mul3A_174 = arith.mulf %min3A_169, %sub3A_173 : vector<16xf32>
      %add3A_175 = arith.addf %scan3A_145, %mul3A_174 : vector<16xf32>
      %mul3A_176 = arith.constant 2 : i32
      %mul3A_177 = arith.muli %mul3A_176, %scan3A_144 : i32
      %add3A_178 = arith.constant 128 : i32
      %add3A_179 = arith.addi %add3A_178, %mul3A_177 : i32
      %add3A_180 = arith.constant 0 : i32
      %add3A_181 = arith.addi %add3A_179, %add3A_180 : i32
      %get3A_182 = arith.index_cast %add3A_181 : i32 to index
      %get3A_183 = arith.constant 16 : index
      %get3A_184 = tpu.vector_load %arg7[%get3A_182, %get3A_183] {strides = array<i32>} : memref<512x128xf32, #tpu.memory_space<vmem>>, vector<16xf32>,
      %mul3A_185 = arith.constant 2 : i32
      %mul3A_186 = arith.muli %mul3A_185, %scan3A_144 : i32
      %add3A_187 = arith.constant 0 : i32
      %add3A_188 = arith.addi %mul3A_186, %add3A_187 : i32
      %get3A_189 = arith.index_cast %add3A_188 : i32 to index
      %get3A_190 = arith.constant 16 : index
      %get3A_191 = tpu.vector_load %arg9[%get3A_189, %get3A_190] {strides = array<i32>} : memref<128x128xf32, #tpu.memory_space<vmem>>, vector<16xf32>,
      %sub3A_192 = arith.subf %get3A_184, %get3A_191 : vector<16xf32>
      %abs3A_193 = math.absf %sub3A_192 : vector<16xf32>
      %min3A_194 = arith.constant 1.000000e+00 : f32
      %min3A_195 = vector.broadcast %min3A_194 : f32 to vector<16xf32>
      %min3A_196 = arith.minimumf %abs3A_193, %min3A_195 : vector<16xf32>
      %mul3A_197 = arith.constant 5.000000e-01 : f32
      %mul3A_198 = vector.broadcast %mul3A_197 : f32 to vector<16xf32>
      %mul3A_199 = arith.mulf %mul3A_198, %min3A_196 : vector<16xf32>
      %sub3A_200 = arith.subf %abs3A_193, %mul3A_199 : vector<16xf32>
      %mul3A_201 = arith.mulf %min3A_196, %sub3A_200 : vector<16xf32>
      %add3A_202 = arith.addf %scan3A_146, %mul3A_201 : vector<16xf32>
      %mul3A_203 = arith.constant 2 : i32
      %mul3A_204 = arith.muli %mul3A_203, %scan3A_144 : i32
      %add3A_205 = arith.constant 128 : i32
      %add3A_206 = arith.addi %add3A_205, %mul3A_204 : i32
      %add3A_207 = arith.constant 0 : i32
      %add3A_208 = arith.addi %add3A_206, %add3A_207 : i32
      %get3A_209 = arith.index_cast %add3A_208 : i32 to index
      %get3A_210 = arith.constant 32 : index
      %get3A_211 = tpu.vector_load %arg7[%get3A_209, %get3A_210] {strides = array<i32>} : memref<512x128xf32, #tpu.memory_space<vmem>>, vector<16xf32>,
      %mul3A_212 = arith.constant 2 : i32
      %mul3A_213 = arith.muli %mul3A_212, %scan3A_144 : i32
      %add3A_214 = arith.constant 0 : i32
      %add3A_215 = arith.addi %mul3A_213, %add3A_214 : i32
      %get3A_216 = arith.index_cast %add3A_215 : i32 to index
      %get3A_217 = arith.constant 32 : index
      %get3A_218 = tpu.vector_load %arg9[%get3A_216, %get3A_217] {strides = array<i32>} : memref<128x128xf32, #tpu.memory_space<vmem>>, vector<16xf32>,
      %sub3A_219 = arith.subf %get3A_211, %get3A_218 : vector<16xf32>
      %abs3A_220 = math.absf %sub3A_219 : vector<16xf32>
      %min3A_221 = arith.constant 1.000000e+00 : f32
      %min3A_222 = vector.broadcast %min3A_221 : f32 to vector<16xf32>
      %min3A_223 = arith.minimumf %abs3A_220, %min3A_222 : vector<16xf32>
      %mul3A_224 = arith.constant 5.000000e-01 : f32
      %mul3A_225 = vector.broadcast %mul3A_224 : f32 to vector<16xf32>
      %mul3A_226 = arith.mulf %mul3A_225, %min3A_223 : vector<16xf32>
      %sub3A_227 = arith.subf %abs3A_220, %mul3A_226 : vector<16xf32>
      %mul3A_228 = arith.mulf %min3A_223, %sub3A_227 : vector<16xf32>
      %add3A_229 = arith.addf %scan3A_147, %mul3A_228 : vector<16xf32>
      %mul3A_230 = arith.constant 2 : i32
      %mul3A_231 = arith.muli %mul3A_230, %scan3A_144 : i32
      %add3A_232 = arith.constant 128 : i32
      %add3A_233 = arith.addi %add3A_232, %mul3A_231 : i32
      %add3A_234 = arith.constant 0 : i32
      %add3A_235 = arith.addi %add3A_233, %add3A_234 : i32
      %get3A_236 = arith.index_cast %add3A_235 : i32 to index
      %get3A_237 = arith.constant 48 : index
      %get3A_238 = tpu.vector_load %arg7[%get3A_236, %get3A_237] {strides = array<i32>} : memref<512x128xf32, #tpu.memory_space<vmem>>, vector<16xf32>,
      %mul3A_239 = arith.constant 2 : i32
      %mul3A_240 = arith.muli %mul3A_239, %scan3A_144 : i32
      %add3A_241 = arith.constant 0 : i32
      %add3A_242 = arith.addi %mul3A_240, %add3A_241 : i32
      %get3A_243 = arith.index_cast %add3A_242 : i32 to index
      %get3A_244 = arith.constant 48 : index
      %get3A_245 = tpu.vector_load %arg9[%get3A_243, %get3A_244] {strides = array<i32>} : memref<128x128xf32, #tpu.memory_space<vmem>>, vector<16xf32>,
      %sub3A_246 = arith.subf %get3A_238, %get3A_245 : vector<16xf32>
      %abs3A_247 = math.absf %sub3A_246 : vector<16xf32>
      %min3A_248 = arith.constant 1.000000e+00 : f32
      %min3A_249 = vector.broadcast %min3A_248 : f32 to vector<16xf32>
      %min3A_250 = arith.minimumf %abs3A_247, %min3A_249 : vector<16xf32>
      %mul3A_251 = arith.constant 5.000000e-01 : f32
      %mul3A_252 = vector.broadcast %mul3A_251 : f32 to vector<16xf32>
      %mul3A_253 = arith.mulf %mul3A_252, %min3A_250 : vector<16xf32>
      %sub3A_254 = arith.subf %abs3A_247, %mul3A_253 : vector<16xf32>
      %mul3A_255 = arith.mulf %min3A_250, %sub3A_254 : vector<16xf32>
      %add3A_256 = arith.addf %scan3A_148, %mul3A_255 : vector<16xf32>
      %mul3A_257 = arith.constant 2 : i32
      %mul3A_258 = arith.muli %mul3A_257, %scan3A_144 : i32
      %add3A_259 = arith.constant 128 : i32
      %add3A_260 = arith.addi %add3A_259, %mul3A_258 : i32
      %add3A_261 = arith.constant 1 : i32
      %add3A_262 = arith.addi %add3A_260, %add3A_261 : i32
      %get3A_263 = arith.index_cast %add3A_262 : i32 to index
      %get3A_264 = arith.constant 0 : index
      %get3A_265 = tpu.vector_load %arg7[%get3A_263, %get3A_264] {strides = array<i32>} : memref<512x128xf32, #tpu.memory_space<vmem>>, vector<16xf32>,
      %mul3A_266 = arith.constant 2 : i32
      %mul3A_267 = arith.muli %mul3A_266, %scan3A_144 : i32
      %add3A_268 = arith.constant 1 : i32
      %add3A_269 = arith.addi %mul3A_267, %add3A_268 : i32
      %get3A_270 = arith.index_cast %add3A_269 : i32 to index
      %get3A_271 = arith.constant 0 : index
      %get3A_272 = tpu.vector_load %arg9[%get3A_270, %get3A_271] {strides = array<i32>} : memref<128x128xf32, #tpu.memory_space<vmem>>, vector<16xf32>,
      %sub3A_273 = arith.subf %get3A_265, %get3A_272 : vector<16xf32>
      %abs3A_274 = math.absf %sub3A_273 : vector<16xf32>
      %min3A_275 = arith.constant 1.000000e+00 : f32
      %min3A_276 = vector.broadcast %min3A_275 : f32 to vector<16xf32>
      %min3A_277 = arith.minimumf %abs3A_274, %min3A_276 : vector<16xf32>
      %mul3A_278 = arith.constant 5.000000e-01 : f32
      %mul3A_279 = vector.broadcast %mul3A_278 : f32 to vector<16xf32>
      %mul3A_280 = arith.mulf %mul3A_279, %min3A_277 : vector<16xf32>
      %sub3A_281 = arith.subf %abs3A_274, %mul3A_280 : vector<16xf32>
      %mul3A_282 = arith.mulf %min3A_277, %sub3A_281 : vector<16xf32>
      %add3A_283 = arith.addf %scan3A_149, %mul3A_282 : vector<16xf32>
      %mul3A_284 = arith.constant 2 : i32
      %mul3A_285 = arith.muli %mul3A_284, %scan3A_144 : i32
      %add3A_286 = arith.constant 128 : i32
      %add3A_287 = arith.addi %add3A_286, %mul3A_285 : i32
      %add3A_288 = arith.constant 1 : i32
      %add3A_289 = arith.addi %add3A_287, %add3A_288 : i32
      %get3A_290 = arith.index_cast %add3A_289 : i32 to index
      %get3A_291 = arith.constant 16 : index
      %get3A_292 = tpu.vector_load %arg7[%get3A_290, %get3A_291] {strides = array<i32>} : memref<512x128xf32, #tpu.memory_space<vmem>>, vector<16xf32>,
      %mul3A_293 = arith.constant 2 : i32
      %mul3A_294 = arith.muli %mul3A_293, %scan3A_144 : i32
      %add3A_295 = arith.constant 1 : i32
      %add3A_296 = arith.addi %mul3A_294, %add3A_295 : i32
      %get3A_297 = arith.index_cast %add3A_296 : i32 to index
      %get3A_298 = arith.constant 16 : index
      %get3A_299 = tpu.vector_load %arg9[%get3A_297, %get3A_298] {strides = array<i32>} : memref<128x128xf32, #tpu.memory_space<vmem>>, vector<16xf32>,
      %sub3A_300 = arith.subf %get3A_292, %get3A_299 : vector<16xf32>
      %abs3A_301 = math.absf %sub3A_300 : vector<16xf32>
      %min3A_302 = arith.constant 1.000000e+00 : f32
      %min3A_303 = vector.broadcast %min3A_302 : f32 to vector<16xf32>
      %min3A_304 = arith.minimumf %abs3A_301, %min3A_303 : vector<16xf32>
      %mul3A_305 = arith.constant 5.000000e-01 : f32
      %mul3A_306 = vector.broadcast %mul3A_305 : f32 to vector<16xf32>
      %mul3A_307 = arith.mulf %mul3A_306, %min3A_304 : vector<16xf32>
      %sub3A_308 = arith.subf %abs3A_301, %mul3A_307 : vector<16xf32>
      %mul3A_309 = arith.mulf %min3A_304, %sub3A_308 : vector<16xf32>
      %add3A_310 = arith.addf %scan3A_150, %mul3A_309 : vector<16xf32>
      %mul3A_311 = arith.constant 2 : i32
      %mul3A_312 = arith.muli %mul3A_311, %scan3A_144 : i32
      %add3A_313 = arith.constant 128 : i32
      %add3A_314 = arith.addi %add3A_313, %mul3A_312 : i32
      %add3A_315 = arith.constant 1 : i32
      %add3A_316 = arith.addi %add3A_314, %add3A_315 : i32
      %get3A_317 = arith.index_cast %add3A_316 : i32 to index
      %get3A_318 = arith.constant 32 : index
      %get3A_319 = tpu.vector_load %arg7[%get3A_317, %get3A_318] {strides = array<i32>} : memref<512x128xf32, #tpu.memory_space<vmem>>, vector<16xf32>,
      %mul3A_320 = arith.constant 2 : i32
      %mul3A_321 = arith.muli %mul3A_320, %scan3A_144 : i32
      %add3A_322 = arith.constant 1 : i32
      %add3A_323 = arith.addi %mul3A_321, %add3A_322 : i32
      %get3A_324 = arith.index_cast %add3A_323 : i32 to index
      %get3A_325 = arith.constant 32 : index
      %get3A_326 = tpu.vector_load %arg9[%get3A_324, %get3A_325] {strides = array<i32>} : memref<128x128xf32, #tpu.memory_space<vmem>>, vector<16xf32>,
      %sub3A_327 = arith.subf %get3A_319, %get3A_326 : vector<16xf32>
      %abs3A_328 = math.absf %sub3A_327 : vector<16xf32>
      %min3A_329 = arith.constant 1.000000e+00 : f32
      %min3A_330 = vector.broadcast %min3A_329 : f32 to vector<16xf32>
      %min3A_331 = arith.minimumf %abs3A_328, %min3A_330 : vector<16xf32>
      %mul3A_332 = arith.constant 5.000000e-01 : f32
      %mul3A_333 = vector.broadcast %mul3A_332 : f32 to vector<16xf32>
      %mul3A_334 = arith.mulf %mul3A_333, %min3A_331 : vector<16xf32>
      %sub3A_335 = arith.subf %abs3A_328, %mul3A_334 : vector<16xf32>
      %mul3A_336 = arith.mulf %min3A_331, %sub3A_335 : vector<16xf32>
      %add3A_337 = arith.addf %scan3A_151, %mul3A_336 : vector<16xf32>
      %mul3A_338 = arith.constant 2 : i32
      %mul3A_339 = arith.muli %mul3A_338, %scan3A_144 : i32
      %add3A_340 = arith.constant 128 : i32
      %add3A_341 = arith.addi %add3A_340, %mul3A_339 : i32
      %add3A_342 = arith.constant 1 : i32
      %add3A_343 = arith.addi %add3A_341, %add3A_342 : i32
      %get3A_344 = arith.index_cast %add3A_343 : i32 to index
      %get3A_345 = arith.constant 48 : index
      %get3A_346 = tpu.vector_load %arg7[%get3A_344, %get3A_345] {strides = array<i32>} : memref<512x128xf32, #tpu.memory_space<vmem>>, vector<16xf32>,
      %mul3A_347 = arith.constant 2 : i32
      %mul3A_348 = arith.muli %mul3A_347, %scan3A_144 : i32
      %add3A_349 = arith.constant 1 : i32
      %add3A_350 = arith.addi %mul3A_348, %add3A_349 : i32
      %get3A_351 = arith.index_cast %add3A_350 : i32 to index
      %get3A_352 = arith.constant 48 : index
      %get3A_353 = tpu.vector_load %arg9[%get3A_351, %get3A_352] {strides = array<i32>} : memref<128x128xf32, #tpu.memory_space<vmem>>, vector<16xf32>,
      %sub3A_354 = arith.subf %get3A_346, %get3A_353 : vector<16xf32>
      %abs3A_355 = math.absf %sub3A_354 : vector<16xf32>
      %min3A_356 = arith.constant 1.000000e+00 : f32
      %min3A_357 = vector.broadcast %min3A_356 : f32 to vector<16xf32>
      %min3A_358 = arith.minimumf %abs3A_355, %min3A_357 : vector<16xf32>
      %mul3A_359 = arith.constant 5.000000e-01 : f32
      %mul3A_360 = vector.broadcast %mul3A_359 : f32 to vector<16xf32>
      %mul3A_361 = arith.mulf %mul3A_360, %min3A_358 : vector<16xf32>
      %sub3A_362 = arith.subf %abs3A_355, %mul3A_361 : vector<16xf32>
      %mul3A_363 = arith.mulf %min3A_358, %sub3A_362 : vector<16xf32>
      %add3A_364 = arith.addf %scan3A_152, %mul3A_363 : vector<16xf32>
      scf.yield %add3A_175, %add3A_202, %add3A_229, %add3A_256, %add3A_283, %add3A_310, %add3A_337, %add3A_364 : vector<16xf32>, vector<16xf32>, vector<16xf32>, vector<16xf32>, vector<16xf32>, vector<16xf32>, vector<16xf32>, vector<16xf32>
    }
    %scan3A_71 = arith.constant 64 : i32
    %dma_start3A_72 = arith.constant 3 : i32
    %dma_start3A_73 = arith.constant 0 : i32
    %dma_start3A_74 = tpu.memref_slice %arg6[%dma_start3A_72, %dma_start3A_73] : memref<4x128xi32, #tpu.memory_space<vmem>> -> memref<1x128xi32, #tpu.memory_space<vmem>>
    %dma_start3A_75 = tpu.memref_squeeze %dma_start3A_74 : memref<1x128xi32, #tpu.memory_space<vmem>> -> memref<128xi32, #tpu.memory_space<vmem>>
    %dma_start3A_76 = arith.constant 0 : i32
    %dma_start3A_77 = arith.constant 0 : i32
    %dma_start3A_78 = tpu.memref_slice %arg4[%dma_start3A_76, %dma_start3A_77] : memref<100000x128xf32, #tpu.memory_space<hbm>> -> memref<100000x128xf32, #tpu.memory_space<hbm>>
    tpu.enqueue_indirect_dma source(%dma_start3A_78 : memref<100000x128xf32, #tpu.memory_space<hbm>>) target(%arg9 : memref<128x128xf32, #tpu.memory_space<vmem>>) offsets(%dma_start3A_75 : memref<128xi32, #tpu.memory_space<vmem>>) semaphore(%arg12 : memref<!tpu.dma_semaphore, #tpu.memory_space<semaphore_mem>>)
    %dma_wait3A_79 = arith.constant 2 : i32
    %dma_wait3A_80 = arith.constant 0 : i32
    %dma_wait3A_81 = tpu.memref_slice %arg6[%dma_wait3A_79, %dma_wait3A_80] : memref<4x128xi32, #tpu.memory_space<vmem>> -> memref<1x128xi32, #tpu.memory_space<vmem>>
    %dma_wait3A_82 = tpu.memref_squeeze %dma_wait3A_81 : memref<1x128xi32, #tpu.memory_space<vmem>> -> memref<128xi32, #tpu.memory_space<vmem>>
    %dma_wait3A_83 = arith.constant 0 : i32
    %dma_wait3A_84 = arith.constant 0 : i32
    %dma_wait3A_85 = tpu.memref_slice %arg4[%dma_wait3A_83, %dma_wait3A_84] : memref<100000x128xf32, #tpu.memory_space<hbm>> -> memref<100000x128xf32, #tpu.memory_space<hbm>>
    tpu.wait_indirect_dma semaphore(%arg11 : memref<!tpu.dma_semaphore, #tpu.memory_space<semaphore_mem>>) src(%dma_wait3A_85 : memref<100000x128xf32, #tpu.memory_space<hbm>>) dst(%arg8 : memref<128x128xf32, #tpu.memory_space<vmem>>)
    %scan3A_86 = arith.constant 0 : i32
    %scan3A_87 = arith.constant 64 : i32
    %scan3A_88 = arith.addi %scan3A_86, %scan3A_87 : i32
    %scan3A_89 = arith.constant 1 : i32
    %scan3A_90:8 = scf.for %scan3A_144 = %scan3A_86 to %scan3A_88 step %scan3A_89 iter_args(%scan3A_145 = %scan3A_70#0, %scan3A_146 = %scan3A_70#1, %scan3A_147 = %scan3A_70#2, %scan3A_148 = %scan3A_70#3, %scan3A_149 = %scan3A_70#4, %scan3A_150 = %scan3A_70#5, %scan3A_151 = %scan3A_70#6, %scan3A_152 = %scan3A_70#7) -> (vector<16xf32>, vector<16xf32>, vector<16xf32>, vector<16xf32>, vector<16xf32>, vector<16xf32>, vector<16xf32>, vector<16xf32>)  : i32 {
      %mul3A_153 = arith.constant 2 : i32
      %mul3A_154 = arith.muli %mul3A_153, %scan3A_144 : i32
      %add3A_155 = arith.constant 256 : i32
      %add3A_156 = arith.addi %add3A_155, %mul3A_154 : i32
      %add3A_157 = arith.constant 0 : i32
      %add3A_158 = arith.addi %add3A_156, %add3A_157 : i32
      %get3A = arith.index_cast %add3A_158 : i32 to index
      %get3A_159 = arith.constant 0 : index
      %get3A_160 = tpu.vector_load %arg7[%get3A, %get3A_159] {strides = array<i32>} : memref<512x128xf32, #tpu.memory_space<vmem>>, vector<16xf32>,
      %mul3A_161 = arith.constant 2 : i32
      %mul3A_162 = arith.muli %mul3A_161, %scan3A_144 : i32
      %add3A_163 = arith.constant 0 : i32
      %add3A_164 = arith.addi %mul3A_162, %add3A_163 : i32
      %get3A_165 = arith.index_cast %add3A_164 : i32 to index
      %get3A_166 = arith.constant 0 : index
      %get3A_167 = tpu.vector_load %arg8[%get3A_165, %get3A_166] {strides = array<i32>} : memref<128x128xf32, #tpu.memory_space<vmem>>, vector<16xf32>,
      %sub3A = arith.subf %get3A_160, %get3A_167 : vector<16xf32>
      %abs3A = math.absf %sub3A : vector<16xf32>
      %min3A = arith.constant 1.000000e+00 : f32
      %min3A_168 = vector.broadcast %min3A : f32 to vector<16xf32>
      %min3A_169 = arith.minimumf %abs3A, %min3A_168 : vector<16xf32>
      %mul3A_170 = arith.constant 5.000000e-01 : f32
      %mul3A_171 = vector.broadcast %mul3A_170 : f32 to vector<16xf32>
      %mul3A_172 = arith.mulf %mul3A_171, %min3A_169 : vector<16xf32>
      %sub3A_173 = arith.subf %abs3A, %mul3A_172 : vector<16xf32>
      %mul3A_174 = arith.mulf %min3A_169, %sub3A_173 : vector<16xf32>
      %add3A_175 = arith.addf %scan3A_145, %mul3A_174 : vector<16xf32>
      %mul3A_176 = arith.constant 2 : i32
      %mul3A_177 = arith.muli %mul3A_176, %scan3A_144 : i32
      %add3A_178 = arith.constant 256 : i32
      %add3A_179 = arith.addi %add3A_178, %mul3A_177 : i32
      %add3A_180 = arith.constant 0 : i32
      %add3A_181 = arith.addi %add3A_179, %add3A_180 : i32
      %get3A_182 = arith.index_cast %add3A_181 : i32 to index
      %get3A_183 = arith.constant 16 : index
      %get3A_184 = tpu.vector_load %arg7[%get3A_182, %get3A_183] {strides = array<i32>} : memref<512x128xf32, #tpu.memory_space<vmem>>, vector<16xf32>,
      %mul3A_185 = arith.constant 2 : i32
      %mul3A_186 = arith.muli %mul3A_185, %scan3A_144 : i32
      %add3A_187 = arith.constant 0 : i32
      %add3A_188 = arith.addi %mul3A_186, %add3A_187 : i32
      %get3A_189 = arith.index_cast %add3A_188 : i32 to index
      %get3A_190 = arith.constant 16 : index
      %get3A_191 = tpu.vector_load %arg8[%get3A_189, %get3A_190] {strides = array<i32>} : memref<128x128xf32, #tpu.memory_space<vmem>>, vector<16xf32>,
      %sub3A_192 = arith.subf %get3A_184, %get3A_191 : vector<16xf32>
      %abs3A_193 = math.absf %sub3A_192 : vector<16xf32>
      %min3A_194 = arith.constant 1.000000e+00 : f32
      %min3A_195 = vector.broadcast %min3A_194 : f32 to vector<16xf32>
      %min3A_196 = arith.minimumf %abs3A_193, %min3A_195 : vector<16xf32>
      %mul3A_197 = arith.constant 5.000000e-01 : f32
      %mul3A_198 = vector.broadcast %mul3A_197 : f32 to vector<16xf32>
      %mul3A_199 = arith.mulf %mul3A_198, %min3A_196 : vector<16xf32>
      %sub3A_200 = arith.subf %abs3A_193, %mul3A_199 : vector<16xf32>
      %mul3A_201 = arith.mulf %min3A_196, %sub3A_200 : vector<16xf32>
      %add3A_202 = arith.addf %scan3A_146, %mul3A_201 : vector<16xf32>
      %mul3A_203 = arith.constant 2 : i32
      %mul3A_204 = arith.muli %mul3A_203, %scan3A_144 : i32
      %add3A_205 = arith.constant 256 : i32
      %add3A_206 = arith.addi %add3A_205, %mul3A_204 : i32
      %add3A_207 = arith.constant 0 : i32
      %add3A_208 = arith.addi %add3A_206, %add3A_207 : i32
      %get3A_209 = arith.index_cast %add3A_208 : i32 to index
      %get3A_210 = arith.constant 32 : index
      %get3A_211 = tpu.vector_load %arg7[%get3A_209, %get3A_210] {strides = array<i32>} : memref<512x128xf32, #tpu.memory_space<vmem>>, vector<16xf32>,
      %mul3A_212 = arith.constant 2 : i32
      %mul3A_213 = arith.muli %mul3A_212, %scan3A_144 : i32
      %add3A_214 = arith.constant 0 : i32
      %add3A_215 = arith.addi %mul3A_213, %add3A_214 : i32
      %get3A_216 = arith.index_cast %add3A_215 : i32 to index
      %get3A_217 = arith.constant 32 : index
      %get3A_218 = tpu.vector_load %arg8[%get3A_216, %get3A_217] {strides = array<i32>} : memref<128x128xf32, #tpu.memory_space<vmem>>, vector<16xf32>,
      %sub3A_219 = arith.subf %get3A_211, %get3A_218 : vector<16xf32>
      %abs3A_220 = math.absf %sub3A_219 : vector<16xf32>
      %min3A_221 = arith.constant 1.000000e+00 : f32
      %min3A_222 = vector.broadcast %min3A_221 : f32 to vector<16xf32>
      %min3A_223 = arith.minimumf %abs3A_220, %min3A_222 : vector<16xf32>
      %mul3A_224 = arith.constant 5.000000e-01 : f32
      %mul3A_225 = vector.broadcast %mul3A_224 : f32 to vector<16xf32>
      %mul3A_226 = arith.mulf %mul3A_225, %min3A_223 : vector<16xf32>
      %sub3A_227 = arith.subf %abs3A_220, %mul3A_226 : vector<16xf32>
      %mul3A_228 = arith.mulf %min3A_223, %sub3A_227 : vector<16xf32>
      %add3A_229 = arith.addf %scan3A_147, %mul3A_228 : vector<16xf32>
      %mul3A_230 = arith.constant 2 : i32
      %mul3A_231 = arith.muli %mul3A_230, %scan3A_144 : i32
      %add3A_232 = arith.constant 256 : i32
      %add3A_233 = arith.addi %add3A_232, %mul3A_231 : i32
      %add3A_234 = arith.constant 0 : i32
      %add3A_235 = arith.addi %add3A_233, %add3A_234 : i32
      %get3A_236 = arith.index_cast %add3A_235 : i32 to index
      %get3A_237 = arith.constant 48 : index
      %get3A_238 = tpu.vector_load %arg7[%get3A_236, %get3A_237] {strides = array<i32>} : memref<512x128xf32, #tpu.memory_space<vmem>>, vector<16xf32>,
      %mul3A_239 = arith.constant 2 : i32
      %mul3A_240 = arith.muli %mul3A_239, %scan3A_144 : i32
      %add3A_241 = arith.constant 0 : i32
      %add3A_242 = arith.addi %mul3A_240, %add3A_241 : i32
      %get3A_243 = arith.index_cast %add3A_242 : i32 to index
      %get3A_244 = arith.constant 48 : index
      %get3A_245 = tpu.vector_load %arg8[%get3A_243, %get3A_244] {strides = array<i32>} : memref<128x128xf32, #tpu.memory_space<vmem>>, vector<16xf32>,
      %sub3A_246 = arith.subf %get3A_238, %get3A_245 : vector<16xf32>
      %abs3A_247 = math.absf %sub3A_246 : vector<16xf32>
      %min3A_248 = arith.constant 1.000000e+00 : f32
      %min3A_249 = vector.broadcast %min3A_248 : f32 to vector<16xf32>
      %min3A_250 = arith.minimumf %abs3A_247, %min3A_249 : vector<16xf32>
      %mul3A_251 = arith.constant 5.000000e-01 : f32
      %mul3A_252 = vector.broadcast %mul3A_251 : f32 to vector<16xf32>
      %mul3A_253 = arith.mulf %mul3A_252, %min3A_250 : vector<16xf32>
      %sub3A_254 = arith.subf %abs3A_247, %mul3A_253 : vector<16xf32>
      %mul3A_255 = arith.mulf %min3A_250, %sub3A_254 : vector<16xf32>
      %add3A_256 = arith.addf %scan3A_148, %mul3A_255 : vector<16xf32>
      %mul3A_257 = arith.constant 2 : i32
      %mul3A_258 = arith.muli %mul3A_257, %scan3A_144 : i32
      %add3A_259 = arith.constant 256 : i32
      %add3A_260 = arith.addi %add3A_259, %mul3A_258 : i32
      %add3A_261 = arith.constant 1 : i32
      %add3A_262 = arith.addi %add3A_260, %add3A_261 : i32
      %get3A_263 = arith.index_cast %add3A_262 : i32 to index
      %get3A_264 = arith.constant 0 : index
      %get3A_265 = tpu.vector_load %arg7[%get3A_263, %get3A_264] {strides = array<i32>} : memref<512x128xf32, #tpu.memory_space<vmem>>, vector<16xf32>,
      %mul3A_266 = arith.constant 2 : i32
      %mul3A_267 = arith.muli %mul3A_266, %scan3A_144 : i32
      %add3A_268 = arith.constant 1 : i32
      %add3A_269 = arith.addi %mul3A_267, %add3A_268 : i32
      %get3A_270 = arith.index_cast %add3A_269 : i32 to index
      %get3A_271 = arith.constant 0 : index
      %get3A_272 = tpu.vector_load %arg8[%get3A_270, %get3A_271] {strides = array<i32>} : memref<128x128xf32, #tpu.memory_space<vmem>>, vector<16xf32>,
      %sub3A_273 = arith.subf %get3A_265, %get3A_272 : vector<16xf32>
      %abs3A_274 = math.absf %sub3A_273 : vector<16xf32>
      %min3A_275 = arith.constant 1.000000e+00 : f32
      %min3A_276 = vector.broadcast %min3A_275 : f32 to vector<16xf32>
      %min3A_277 = arith.minimumf %abs3A_274, %min3A_276 : vector<16xf32>
      %mul3A_278 = arith.constant 5.000000e-01 : f32
      %mul3A_279 = vector.broadcast %mul3A_278 : f32 to vector<16xf32>
      %mul3A_280 = arith.mulf %mul3A_279, %min3A_277 : vector<16xf32>
      %sub3A_281 = arith.subf %abs3A_274, %mul3A_280 : vector<16xf32>
      %mul3A_282 = arith.mulf %min3A_277, %sub3A_281 : vector<16xf32>
      %add3A_283 = arith.addf %scan3A_149, %mul3A_282 : vector<16xf32>
      %mul3A_284 = arith.constant 2 : i32
      %mul3A_285 = arith.muli %mul3A_284, %scan3A_144 : i32
      %add3A_286 = arith.constant 256 : i32
      %add3A_287 = arith.addi %add3A_286, %mul3A_285 : i32
      %add3A_288 = arith.constant 1 : i32
      %add3A_289 = arith.addi %add3A_287, %add3A_288 : i32
      %get3A_290 = arith.index_cast %add3A_289 : i32 to index
      %get3A_291 = arith.constant 16 : index
      %get3A_292 = tpu.vector_load %arg7[%get3A_290, %get3A_291] {strides = array<i32>} : memref<512x128xf32, #tpu.memory_space<vmem>>, vector<16xf32>,
      %mul3A_293 = arith.constant 2 : i32
      %mul3A_294 = arith.muli %mul3A_293, %scan3A_144 : i32
      %add3A_295 = arith.constant 1 : i32
      %add3A_296 = arith.addi %mul3A_294, %add3A_295 : i32
      %get3A_297 = arith.index_cast %add3A_296 : i32 to index
      %get3A_298 = arith.constant 16 : index
      %get3A_299 = tpu.vector_load %arg8[%get3A_297, %get3A_298] {strides = array<i32>} : memref<128x128xf32, #tpu.memory_space<vmem>>, vector<16xf32>,
      %sub3A_300 = arith.subf %get3A_292, %get3A_299 : vector<16xf32>
      %abs3A_301 = math.absf %sub3A_300 : vector<16xf32>
      %min3A_302 = arith.constant 1.000000e+00 : f32
      %min3A_303 = vector.broadcast %min3A_302 : f32 to vector<16xf32>
      %min3A_304 = arith.minimumf %abs3A_301, %min3A_303 : vector<16xf32>
      %mul3A_305 = arith.constant 5.000000e-01 : f32
      %mul3A_306 = vector.broadcast %mul3A_305 : f32 to vector<16xf32>
      %mul3A_307 = arith.mulf %mul3A_306, %min3A_304 : vector<16xf32>
      %sub3A_308 = arith.subf %abs3A_301, %mul3A_307 : vector<16xf32>
      %mul3A_309 = arith.mulf %min3A_304, %sub3A_308 : vector<16xf32>
      %add3A_310 = arith.addf %scan3A_150, %mul3A_309 : vector<16xf32>
      %mul3A_311 = arith.constant 2 : i32
      %mul3A_312 = arith.muli %mul3A_311, %scan3A_144 : i32
      %add3A_313 = arith.constant 256 : i32
      %add3A_314 = arith.addi %add3A_313, %mul3A_312 : i32
      %add3A_315 = arith.constant 1 : i32
      %add3A_316 = arith.addi %add3A_314, %add3A_315 : i32
      %get3A_317 = arith.index_cast %add3A_316 : i32 to index
      %get3A_318 = arith.constant 32 : index
      %get3A_319 = tpu.vector_load %arg7[%get3A_317, %get3A_318] {strides = array<i32>} : memref<512x128xf32, #tpu.memory_space<vmem>>, vector<16xf32>,
      %mul3A_320 = arith.constant 2 : i32
      %mul3A_321 = arith.muli %mul3A_320, %scan3A_144 : i32
      %add3A_322 = arith.constant 1 : i32
      %add3A_323 = arith.addi %mul3A_321, %add3A_322 : i32
      %get3A_324 = arith.index_cast %add3A_323 : i32 to index
      %get3A_325 = arith.constant 32 : index
      %get3A_326 = tpu.vector_load %arg8[%get3A_324, %get3A_325] {strides = array<i32>} : memref<128x128xf32, #tpu.memory_space<vmem>>, vector<16xf32>,
      %sub3A_327 = arith.subf %get3A_319, %get3A_326 : vector<16xf32>
      %abs3A_328 = math.absf %sub3A_327 : vector<16xf32>
      %min3A_329 = arith.constant 1.000000e+00 : f32
      %min3A_330 = vector.broadcast %min3A_329 : f32 to vector<16xf32>
      %min3A_331 = arith.minimumf %abs3A_328, %min3A_330 : vector<16xf32>
      %mul3A_332 = arith.constant 5.000000e-01 : f32
      %mul3A_333 = vector.broadcast %mul3A_332 : f32 to vector<16xf32>
      %mul3A_334 = arith.mulf %mul3A_333, %min3A_331 : vector<16xf32>
      %sub3A_335 = arith.subf %abs3A_328, %mul3A_334 : vector<16xf32>
      %mul3A_336 = arith.mulf %min3A_331, %sub3A_335 : vector<16xf32>
      %add3A_337 = arith.addf %scan3A_151, %mul3A_336 : vector<16xf32>
      %mul3A_338 = arith.constant 2 : i32
      %mul3A_339 = arith.muli %mul3A_338, %scan3A_144 : i32
      %add3A_340 = arith.constant 256 : i32
      %add3A_341 = arith.addi %add3A_340, %mul3A_339 : i32
      %add3A_342 = arith.constant 1 : i32
      %add3A_343 = arith.addi %add3A_341, %add3A_342 : i32
      %get3A_344 = arith.index_cast %add3A_343 : i32 to index
      %get3A_345 = arith.constant 48 : index
      %get3A_346 = tpu.vector_load %arg7[%get3A_344, %get3A_345] {strides = array<i32>} : memref<512x128xf32, #tpu.memory_space<vmem>>, vector<16xf32>,
      %mul3A_347 = arith.constant 2 : i32
      %mul3A_348 = arith.muli %mul3A_347, %scan3A_144 : i32
      %add3A_349 = arith.constant 1 : i32
      %add3A_350 = arith.addi %mul3A_348, %add3A_349 : i32
      %get3A_351 = arith.index_cast %add3A_350 : i32 to index
      %get3A_352 = arith.constant 48 : index
      %get3A_353 = tpu.vector_load %arg8[%get3A_351, %get3A_352] {strides = array<i32>} : memref<128x128xf32, #tpu.memory_space<vmem>>, vector<16xf32>,
      %sub3A_354 = arith.subf %get3A_346, %get3A_353 : vector<16xf32>
      %abs3A_355 = math.absf %sub3A_354 : vector<16xf32>
      %min3A_356 = arith.constant 1.000000e+00 : f32
      %min3A_357 = vector.broadcast %min3A_356 : f32 to vector<16xf32>
      %min3A_358 = arith.minimumf %abs3A_355, %min3A_357 : vector<16xf32>
      %mul3A_359 = arith.constant 5.000000e-01 : f32
      %mul3A_360 = vector.broadcast %mul3A_359 : f32 to vector<16xf32>
      %mul3A_361 = arith.mulf %mul3A_360, %min3A_358 : vector<16xf32>
      %sub3A_362 = arith.subf %abs3A_355, %mul3A_361 : vector<16xf32>
      %mul3A_363 = arith.mulf %min3A_358, %sub3A_362 : vector<16xf32>
      %add3A_364 = arith.addf %scan3A_152, %mul3A_363 : vector<16xf32>
      scf.yield %add3A_175, %add3A_202, %add3A_229, %add3A_256, %add3A_283, %add3A_310, %add3A_337, %add3A_364 : vector<16xf32>, vector<16xf32>, vector<16xf32>, vector<16xf32>, vector<16xf32>, vector<16xf32>, vector<16xf32>, vector<16xf32>
    }
    %scan3A_91 = arith.constant 64 : i32
    %dma_wait3A_92 = arith.constant 3 : i32
    %dma_wait3A_93 = arith.constant 0 : i32
    %dma_wait3A_94 = tpu.memref_slice %arg6[%dma_wait3A_92, %dma_wait3A_93] : memref<4x128xi32, #tpu.memory_space<vmem>> -> memref<1x128xi32, #tpu.memory_space<vmem>>
    %dma_wait3A_95 = tpu.memref_squeeze %dma_wait3A_94 : memref<1x128xi32, #tpu.memory_space<vmem>> -> memref<128xi32, #tpu.memory_space<vmem>>
    %dma_wait3A_96 = arith.constant 0 : i32
    %dma_wait3A_97 = arith.constant 0 : i32
    %dma_wait3A_98 = tpu.memref_slice %arg4[%dma_wait3A_96, %dma_wait3A_97] : memref<100000x128xf32, #tpu.memory_space<hbm>> -> memref<100000x128xf32, #tpu.memory_space<hbm>>
    tpu.wait_indirect_dma semaphore(%arg12 : memref<!tpu.dma_semaphore, #tpu.memory_space<semaphore_mem>>) src(%dma_wait3A_98 : memref<100000x128xf32, #tpu.memory_space<hbm>>) dst(%arg9 : memref<128x128xf32, #tpu.memory_space<vmem>>)
    %scan3A_99 = arith.constant 0 : i32
    %scan3A_100 = arith.constant 64 : i32
    %scan3A_101 = arith.addi %scan3A_99, %scan3A_100 : i32
    %scan3A_102 = arith.constant 1 : i32
    %scan3A_103:8 = scf.for %scan3A_144 = %scan3A_99 to %scan3A_101 step %scan3A_102 iter_args(%scan3A_145 = %scan3A_90#0, %scan3A_146 = %scan3A_90#1, %scan3A_147 = %scan3A_90#2, %scan3A_148 = %scan3A_90#3, %scan3A_149 = %scan3A_90#4, %scan3A_150 = %scan3A_90#5, %scan3A_151 = %scan3A_90#6, %scan3A_152 = %scan3A_90#7) -> (vector<16xf32>, vector<16xf32>, vector<16xf32>, vector<16xf32>, vector<16xf32>, vector<16xf32>, vector<16xf32>, vector<16xf32>)  : i32 {
      %mul3A_153 = arith.constant 2 : i32
      %mul3A_154 = arith.muli %mul3A_153, %scan3A_144 : i32
      %add3A_155 = arith.constant 384 : i32
      %add3A_156 = arith.addi %add3A_155, %mul3A_154 : i32
      %add3A_157 = arith.constant 0 : i32
      %add3A_158 = arith.addi %add3A_156, %add3A_157 : i32
      %get3A = arith.index_cast %add3A_158 : i32 to index
      %get3A_159 = arith.constant 0 : index
      %get3A_160 = tpu.vector_load %arg7[%get3A, %get3A_159] {strides = array<i32>} : memref<512x128xf32, #tpu.memory_space<vmem>>, vector<16xf32>,
      %mul3A_161 = arith.constant 2 : i32
      %mul3A_162 = arith.muli %mul3A_161, %scan3A_144 : i32
      %add3A_163 = arith.constant 0 : i32
      %add3A_164 = arith.addi %mul3A_162, %add3A_163 : i32
      %get3A_165 = arith.index_cast %add3A_164 : i32 to index
      %get3A_166 = arith.constant 0 : index
      %get3A_167 = tpu.vector_load %arg9[%get3A_165, %get3A_166] {strides = array<i32>} : memref<128x128xf32, #tpu.memory_space<vmem>>, vector<16xf32>,
      %sub3A = arith.subf %get3A_160, %get3A_167 : vector<16xf32>
      %abs3A = math.absf %sub3A : vector<16xf32>
      %min3A = arith.constant 1.000000e+00 : f32
      %min3A_168 = vector.broadcast %min3A : f32 to vector<16xf32>
      %min3A_169 = arith.minimumf %abs3A, %min3A_168 : vector<16xf32>
      %mul3A_170 = arith.constant 5.000000e-01 : f32
      %mul3A_171 = vector.broadcast %mul3A_170 : f32 to vector<16xf32>
      %mul3A_172 = arith.mulf %mul3A_171, %min3A_169 : vector<16xf32>
      %sub3A_173 = arith.subf %abs3A, %mul3A_172 : vector<16xf32>
      %mul3A_174 = arith.mulf %min3A_169, %sub3A_173 : vector<16xf32>
      %add3A_175 = arith.addf %scan3A_145, %mul3A_174 : vector<16xf32>
      %mul3A_176 = arith.constant 2 : i32
      %mul3A_177 = arith.muli %mul3A_176, %scan3A_144 : i32
      %add3A_178 = arith.constant 384 : i32
      %add3A_179 = arith.addi %add3A_178, %mul3A_177 : i32
      %add3A_180 = arith.constant 0 : i32
      %add3A_181 = arith.addi %add3A_179, %add3A_180 : i32
      %get3A_182 = arith.index_cast %add3A_181 : i32 to index
      %get3A_183 = arith.constant 16 : index
      %get3A_184 = tpu.vector_load %arg7[%get3A_182, %get3A_183] {strides = array<i32>} : memref<512x128xf32, #tpu.memory_space<vmem>>, vector<16xf32>,
      %mul3A_185 = arith.constant 2 : i32
      %mul3A_186 = arith.muli %mul3A_185, %scan3A_144 : i32
      %add3A_187 = arith.constant 0 : i32
      %add3A_188 = arith.addi %mul3A_186, %add3A_187 : i32
      %get3A_189 = arith.index_cast %add3A_188 : i32 to index
      %get3A_190 = arith.constant 16 : index
      %get3A_191 = tpu.vector_load %arg9[%get3A_189, %get3A_190] {strides = array<i32>} : memref<128x128xf32, #tpu.memory_space<vmem>>, vector<16xf32>,
      %sub3A_192 = arith.subf %get3A_184, %get3A_191 : vector<16xf32>
      %abs3A_193 = math.absf %sub3A_192 : vector<16xf32>
      %min3A_194 = arith.constant 1.000000e+00 : f32
      %min3A_195 = vector.broadcast %min3A_194 : f32 to vector<16xf32>
      %min3A_196 = arith.minimumf %abs3A_193, %min3A_195 : vector<16xf32>
      %mul3A_197 = arith.constant 5.000000e-01 : f32
      %mul3A_198 = vector.broadcast %mul3A_197 : f32 to vector<16xf32>
      %mul3A_199 = arith.mulf %mul3A_198, %min3A_196 : vector<16xf32>
      %sub3A_200 = arith.subf %abs3A_193, %mul3A_199 : vector<16xf32>
      %mul3A_201 = arith.mulf %min3A_196, %sub3A_200 : vector<16xf32>
      %add3A_202 = arith.addf %scan3A_146, %mul3A_201 : vector<16xf32>
      %mul3A_203 = arith.constant 2 : i32
      %mul3A_204 = arith.muli %mul3A_203, %scan3A_144 : i32
      %add3A_205 = arith.constant 384 : i32
      %add3A_206 = arith.addi %add3A_205, %mul3A_204 : i32
      %add3A_207 = arith.constant 0 : i32
      %add3A_208 = arith.addi %add3A_206, %add3A_207 : i32
      %get3A_209 = arith.index_cast %add3A_208 : i32 to index
      %get3A_210 = arith.constant 32 : index
      %get3A_211 = tpu.vector_load %arg7[%get3A_209, %get3A_210] {strides = array<i32>} : memref<512x128xf32, #tpu.memory_space<vmem>>, vector<16xf32>,
      %mul3A_212 = arith.constant 2 : i32
      %mul3A_213 = arith.muli %mul3A_212, %scan3A_144 : i32
      %add3A_214 = arith.constant 0 : i32
      %add3A_215 = arith.addi %mul3A_213, %add3A_214 : i32
      %get3A_216 = arith.index_cast %add3A_215 : i32 to index
      %get3A_217 = arith.constant 32 : index
      %get3A_218 = tpu.vector_load %arg9[%get3A_216, %get3A_217] {strides = array<i32>} : memref<128x128xf32, #tpu.memory_space<vmem>>, vector<16xf32>,
      %sub3A_219 = arith.subf %get3A_211, %get3A_218 : vector<16xf32>
      %abs3A_220 = math.absf %sub3A_219 : vector<16xf32>
      %min3A_221 = arith.constant 1.000000e+00 : f32
      %min3A_222 = vector.broadcast %min3A_221 : f32 to vector<16xf32>
      %min3A_223 = arith.minimumf %abs3A_220, %min3A_222 : vector<16xf32>
      %mul3A_224 = arith.constant 5.000000e-01 : f32
      %mul3A_225 = vector.broadcast %mul3A_224 : f32 to vector<16xf32>
      %mul3A_226 = arith.mulf %mul3A_225, %min3A_223 : vector<16xf32>
      %sub3A_227 = arith.subf %abs3A_220, %mul3A_226 : vector<16xf32>
      %mul3A_228 = arith.mulf %min3A_223, %sub3A_227 : vector<16xf32>
      %add3A_229 = arith.addf %scan3A_147, %mul3A_228 : vector<16xf32>
      %mul3A_230 = arith.constant 2 : i32
      %mul3A_231 = arith.muli %mul3A_230, %scan3A_144 : i32
      %add3A_232 = arith.constant 384 : i32
      %add3A_233 = arith.addi %add3A_232, %mul3A_231 : i32
      %add3A_234 = arith.constant 0 : i32
      %add3A_235 = arith.addi %add3A_233, %add3A_234 : i32
      %get3A_236 = arith.index_cast %add3A_235 : i32 to index
      %get3A_237 = arith.constant 48 : index
      %get3A_238 = tpu.vector_load %arg7[%get3A_236, %get3A_237] {strides = array<i32>} : memref<512x128xf32, #tpu.memory_space<vmem>>, vector<16xf32>,
      %mul3A_239 = arith.constant 2 : i32
      %mul3A_240 = arith.muli %mul3A_239, %scan3A_144 : i32
      %add3A_241 = arith.constant 0 : i32
      %add3A_242 = arith.addi %mul3A_240, %add3A_241 : i32
      %get3A_243 = arith.index_cast %add3A_242 : i32 to index
      %get3A_244 = arith.constant 48 : index
      %get3A_245 = tpu.vector_load %arg9[%get3A_243, %get3A_244] {strides = array<i32>} : memref<128x128xf32, #tpu.memory_space<vmem>>, vector<16xf32>,
      %sub3A_246 = arith.subf %get3A_238, %get3A_245 : vector<16xf32>
      %abs3A_247 = math.absf %sub3A_246 : vector<16xf32>
      %min3A_248 = arith.constant 1.000000e+00 : f32
      %min3A_249 = vector.broadcast %min3A_248 : f32 to vector<16xf32>
      %min3A_250 = arith.minimumf %abs3A_247, %min3A_249 : vector<16xf32>
      %mul3A_251 = arith.constant 5.000000e-01 : f32
      %mul3A_252 = vector.broadcast %mul3A_251 : f32 to vector<16xf32>
      %mul3A_253 = arith.mulf %mul3A_252, %min3A_250 : vector<16xf32>
      %sub3A_254 = arith.subf %abs3A_247, %mul3A_253 : vector<16xf32>
      %mul3A_255 = arith.mulf %min3A_250, %sub3A_254 : vector<16xf32>
      %add3A_256 = arith.addf %scan3A_148, %mul3A_255 : vector<16xf32>
      %mul3A_257 = arith.constant 2 : i32
      %mul3A_258 = arith.muli %mul3A_257, %scan3A_144 : i32
      %add3A_259 = arith.constant 384 : i32
      %add3A_260 = arith.addi %add3A_259, %mul3A_258 : i32
      %add3A_261 = arith.constant 1 : i32
      %add3A_262 = arith.addi %add3A_260, %add3A_261 : i32
      %get3A_263 = arith.index_cast %add3A_262 : i32 to index
      %get3A_264 = arith.constant 0 : index
      %get3A_265 = tpu.vector_load %arg7[%get3A_263, %get3A_264] {strides = array<i32>} : memref<512x128xf32, #tpu.memory_space<vmem>>, vector<16xf32>,
      %mul3A_266 = arith.constant 2 : i32
      %mul3A_267 = arith.muli %mul3A_266, %scan3A_144 : i32
      %add3A_268 = arith.constant 1 : i32
      %add3A_269 = arith.addi %mul3A_267, %add3A_268 : i32
      %get3A_270 = arith.index_cast %add3A_269 : i32 to index
      %get3A_271 = arith.constant 0 : index
      %get3A_272 = tpu.vector_load %arg9[%get3A_270, %get3A_271] {strides = array<i32>} : memref<128x128xf32, #tpu.memory_space<vmem>>, vector<16xf32>,
      %sub3A_273 = arith.subf %get3A_265, %get3A_272 : vector<16xf32>
      %abs3A_274 = math.absf %sub3A_273 : vector<16xf32>
      %min3A_275 = arith.constant 1.000000e+00 : f32
      %min3A_276 = vector.broadcast %min3A_275 : f32 to vector<16xf32>
      %min3A_277 = arith.minimumf %abs3A_274, %min3A_276 : vector<16xf32>
      %mul3A_278 = arith.constant 5.000000e-01 : f32
      %mul3A_279 = vector.broadcast %mul3A_278 : f32 to vector<16xf32>
      %mul3A_280 = arith.mulf %mul3A_279, %min3A_277 : vector<16xf32>
      %sub3A_281 = arith.subf %abs3A_274, %mul3A_280 : vector<16xf32>
      %mul3A_282 = arith.mulf %min3A_277, %sub3A_281 : vector<16xf32>
      %add3A_283 = arith.addf %scan3A_149, %mul3A_282 : vector<16xf32>
      %mul3A_284 = arith.constant 2 : i32
      %mul3A_285 = arith.muli %mul3A_284, %scan3A_144 : i32
      %add3A_286 = arith.constant 384 : i32
      %add3A_287 = arith.addi %add3A_286, %mul3A_285 : i32
      %add3A_288 = arith.constant 1 : i32
      %add3A_289 = arith.addi %add3A_287, %add3A_288 : i32
      %get3A_290 = arith.index_cast %add3A_289 : i32 to index
      %get3A_291 = arith.constant 16 : index
      %get3A_292 = tpu.vector_load %arg7[%get3A_290, %get3A_291] {strides = array<i32>} : memref<512x128xf32, #tpu.memory_space<vmem>>, vector<16xf32>,
      %mul3A_293 = arith.constant 2 : i32
      %mul3A_294 = arith.muli %mul3A_293, %scan3A_144 : i32
      %add3A_295 = arith.constant 1 : i32
      %add3A_296 = arith.addi %mul3A_294, %add3A_295 : i32
      %get3A_297 = arith.index_cast %add3A_296 : i32 to index
      %get3A_298 = arith.constant 16 : index
      %get3A_299 = tpu.vector_load %arg9[%get3A_297, %get3A_298] {strides = array<i32>} : memref<128x128xf32, #tpu.memory_space<vmem>>, vector<16xf32>,
      %sub3A_300 = arith.subf %get3A_292, %get3A_299 : vector<16xf32>
      %abs3A_301 = math.absf %sub3A_300 : vector<16xf32>
      %min3A_302 = arith.constant 1.000000e+00 : f32
      %min3A_303 = vector.broadcast %min3A_302 : f32 to vector<16xf32>
      %min3A_304 = arith.minimumf %abs3A_301, %min3A_303 : vector<16xf32>
      %mul3A_305 = arith.constant 5.000000e-01 : f32
      %mul3A_306 = vector.broadcast %mul3A_305 : f32 to vector<16xf32>
      %mul3A_307 = arith.mulf %mul3A_306, %min3A_304 : vector<16xf32>
      %sub3A_308 = arith.subf %abs3A_301, %mul3A_307 : vector<16xf32>
      %mul3A_309 = arith.mulf %min3A_304, %sub3A_308 : vector<16xf32>
      %add3A_310 = arith.addf %scan3A_150, %mul3A_309 : vector<16xf32>
      %mul3A_311 = arith.constant 2 : i32
      %mul3A_312 = arith.muli %mul3A_311, %scan3A_144 : i32
      %add3A_313 = arith.constant 384 : i32
      %add3A_314 = arith.addi %add3A_313, %mul3A_312 : i32
      %add3A_315 = arith.constant 1 : i32
      %add3A_316 = arith.addi %add3A_314, %add3A_315 : i32
      %get3A_317 = arith.index_cast %add3A_316 : i32 to index
      %get3A_318 = arith.constant 32 : index
      %get3A_319 = tpu.vector_load %arg7[%get3A_317, %get3A_318] {strides = array<i32>} : memref<512x128xf32, #tpu.memory_space<vmem>>, vector<16xf32>,
      %mul3A_320 = arith.constant 2 : i32
      %mul3A_321 = arith.muli %mul3A_320, %scan3A_144 : i32
      %add3A_322 = arith.constant 1 : i32
      %add3A_323 = arith.addi %mul3A_321, %add3A_322 : i32
      %get3A_324 = arith.index_cast %add3A_323 : i32 to index
      %get3A_325 = arith.constant 32 : index
      %get3A_326 = tpu.vector_load %arg9[%get3A_324, %get3A_325] {strides = array<i32>} : memref<128x128xf32, #tpu.memory_space<vmem>>, vector<16xf32>,
      %sub3A_327 = arith.subf %get3A_319, %get3A_326 : vector<16xf32>
      %abs3A_328 = math.absf %sub3A_327 : vector<16xf32>
      %min3A_329 = arith.constant 1.000000e+00 : f32
      %min3A_330 = vector.broadcast %min3A_329 : f32 to vector<16xf32>
      %min3A_331 = arith.minimumf %abs3A_328, %min3A_330 : vector<16xf32>
      %mul3A_332 = arith.constant 5.000000e-01 : f32
      %mul3A_333 = vector.broadcast %mul3A_332 : f32 to vector<16xf32>
      %mul3A_334 = arith.mulf %mul3A_333, %min3A_331 : vector<16xf32>
      %sub3A_335 = arith.subf %abs3A_328, %mul3A_334 : vector<16xf32>
      %mul3A_336 = arith.mulf %min3A_331, %sub3A_335 : vector<16xf32>
      %add3A_337 = arith.addf %scan3A_151, %mul3A_336 : vector<16xf32>
      %mul3A_338 = arith.constant 2 : i32
      %mul3A_339 = arith.muli %mul3A_338, %scan3A_144 : i32
      %add3A_340 = arith.constant 384 : i32
      %add3A_341 = arith.addi %add3A_340, %mul3A_339 : i32
      %add3A_342 = arith.constant 1 : i32
      %add3A_343 = arith.addi %add3A_341, %add3A_342 : i32
      %get3A_344 = arith.index_cast %add3A_343 : i32 to index
      %get3A_345 = arith.constant 48 : index
      %get3A_346 = tpu.vector_load %arg7[%get3A_344, %get3A_345] {strides = array<i32>} : memref<512x128xf32, #tpu.memory_space<vmem>>, vector<16xf32>,
      %mul3A_347 = arith.constant 2 : i32
      %mul3A_348 = arith.muli %mul3A_347, %scan3A_144 : i32
      %add3A_349 = arith.constant 1 : i32
      %add3A_350 = arith.addi %mul3A_348, %add3A_349 : i32
      %get3A_351 = arith.index_cast %add3A_350 : i32 to index
      %get3A_352 = arith.constant 48 : index
      %get3A_353 = tpu.vector_load %arg9[%get3A_351, %get3A_352] {strides = array<i32>} : memref<128x128xf32, #tpu.memory_space<vmem>>, vector<16xf32>,
      %sub3A_354 = arith.subf %get3A_346, %get3A_353 : vector<16xf32>
      %abs3A_355 = math.absf %sub3A_354 : vector<16xf32>
      %min3A_356 = arith.constant 1.000000e+00 : f32
      %min3A_357 = vector.broadcast %min3A_356 : f32 to vector<16xf32>
      %min3A_358 = arith.minimumf %abs3A_355, %min3A_357 : vector<16xf32>
      %mul3A_359 = arith.constant 5.000000e-01 : f32
      %mul3A_360 = vector.broadcast %mul3A_359 : f32 to vector<16xf32>
      %mul3A_361 = arith.mulf %mul3A_360, %min3A_358 : vector<16xf32>
      %sub3A_362 = arith.subf %abs3A_355, %mul3A_361 : vector<16xf32>
      %mul3A_363 = arith.mulf %min3A_358, %sub3A_362 : vector<16xf32>
      %add3A_364 = arith.addf %scan3A_152, %mul3A_363 : vector<16xf32>
      scf.yield %add3A_175, %add3A_202, %add3A_229, %add3A_256, %add3A_283, %add3A_310, %add3A_337, %add3A_364 : vector<16xf32>, vector<16xf32>, vector<16xf32>, vector<16xf32>, vector<16xf32>, vector<16xf32>, vector<16xf32>, vector<16xf32>
    }
    %scan3A_104 = arith.constant 64 : i32
    %mul3A_105 = arith.constant 6.10351563E-5 : f32
    %mul3A_106 = vector.broadcast %mul3A_105 : f32 to vector<16xf32>
    %mul3A_107 = arith.mulf %scan3A_103#0, %mul3A_106 : vector<16xf32>
    %swap3A = arith.constant 0 : index
    %swap3A_108 = tpu.vector_load %arg10[%swap3A] {strides = array<i32>} : memref<128xf32, #tpu.memory_space<vmem>>, vector<16xf32>,
    tpu.vector_store %arg10[%swap3A], %mul3A_107 {strides = array<i32>} : memref<128xf32, #tpu.memory_space<vmem>>, vector<16xf32>,
    %mul3A_109 = arith.constant 6.10351563E-5 : f32
    %mul3A_110 = vector.broadcast %mul3A_109 : f32 to vector<16xf32>
    %mul3A_111 = arith.mulf %scan3A_103#1, %mul3A_110 : vector<16xf32>
    %swap3A_112 = arith.constant 16 : index
    %swap3A_113 = tpu.vector_load %arg10[%swap3A_112] {strides = array<i32>} : memref<128xf32, #tpu.memory_space<vmem>>, vector<16xf32>,
    tpu.vector_store %arg10[%swap3A_112], %mul3A_111 {strides = array<i32>} : memref<128xf32, #tpu.memory_space<vmem>>, vector<16xf32>,
    %mul3A_114 = arith.constant 6.10351563E-5 : f32
    %mul3A_115 = vector.broadcast %mul3A_114 : f32 to vector<16xf32>
    %mul3A_116 = arith.mulf %scan3A_103#2, %mul3A_115 : vector<16xf32>
    %swap3A_117 = arith.constant 32 : index
    %swap3A_118 = tpu.vector_load %arg10[%swap3A_117] {strides = array<i32>} : memref<128xf32, #tpu.memory_space<vmem>>, vector<16xf32>,
    tpu.vector_store %arg10[%swap3A_117], %mul3A_116 {strides = array<i32>} : memref<128xf32, #tpu.memory_space<vmem>>, vector<16xf32>,
    %mul3A_119 = arith.constant 6.10351563E-5 : f32
    %mul3A_120 = vector.broadcast %mul3A_119 : f32 to vector<16xf32>
    %mul3A_121 = arith.mulf %scan3A_103#3, %mul3A_120 : vector<16xf32>
    %swap3A_122 = arith.constant 48 : index
    %swap3A_123 = tpu.vector_load %arg10[%swap3A_122] {strides = array<i32>} : memref<128xf32, #tpu.memory_space<vmem>>, vector<16xf32>,
    tpu.vector_store %arg10[%swap3A_122], %mul3A_121 {strides = array<i32>} : memref<128xf32, #tpu.memory_space<vmem>>, vector<16xf32>,
    %mul3A_124 = arith.constant 6.10351563E-5 : f32
    %mul3A_125 = vector.broadcast %mul3A_124 : f32 to vector<16xf32>
    %mul3A_126 = arith.mulf %scan3A_103#4, %mul3A_125 : vector<16xf32>
    %swap3A_127 = arith.constant 64 : index
    %swap3A_128 = tpu.vector_load %arg10[%swap3A_127] {strides = array<i32>} : memref<128xf32, #tpu.memory_space<vmem>>, vector<16xf32>,
    tpu.vector_store %arg10[%swap3A_127], %mul3A_126 {strides = array<i32>} : memref<128xf32, #tpu.memory_space<vmem>>, vector<16xf32>,
    %mul3A_129 = arith.constant 6.10351563E-5 : f32
    %mul3A_130 = vector.broadcast %mul3A_129 : f32 to vector<16xf32>
    %mul3A_131 = arith.mulf %scan3A_103#5, %mul3A_130 : vector<16xf32>
    %swap3A_132 = arith.constant 80 : index
    %swap3A_133 = tpu.vector_load %arg10[%swap3A_132] {strides = array<i32>} : memref<128xf32, #tpu.memory_space<vmem>>, vector<16xf32>,
    tpu.vector_store %arg10[%swap3A_132], %mul3A_131 {strides = array<i32>} : memref<128xf32, #tpu.memory_space<vmem>>, vector<16xf32>,
    %mul3A_134 = arith.constant 6.10351563E-5 : f32
    %mul3A_135 = vector.broadcast %mul3A_134 : f32 to vector<16xf32>
    %mul3A_136 = arith.mulf %scan3A_103#6, %mul3A_135 : vector<16xf32>
    %swap3A_137 = arith.constant 96 : index
    %swap3A_138 = tpu.vector_load %arg10[%swap3A_137] {strides = array<i32>} : memref<128xf32, #tpu.memory_space<vmem>>, vector<16xf32>,
    tpu.vector_store %arg10[%swap3A_137], %mul3A_136 {strides = array<i32>} : memref<128xf32, #tpu.memory_space<vmem>>, vector<16xf32>,
    %mul3A_139 = arith.constant 6.10351563E-5 : f32
    %mul3A_140 = vector.broadcast %mul3A_139 : f32 to vector<16xf32>
    %mul3A_141 = arith.mulf %scan3A_103#7, %mul3A_140 : vector<16xf32>
    %swap3A_142 = arith.constant 112 : index
    %swap3A_143 = tpu.vector_load %arg10[%swap3A_142] {strides = array<i32>} : memref<128xf32, #tpu.memory_space<vmem>>, vector<16xf32>,
    tpu.vector_store %arg10[%swap3A_142], %mul3A_141 {strides = array<i32>} : memref<128xf32, #tpu.memory_space<vmem>>, vector<16xf32>,
    "tpu.region"() ({
      %run_scoped3A = tpu.sem_alloc : memref<!tpu.dma_semaphore, #tpu.memory_space<semaphore_mem>>
      %dma_start3A_144 = arith.constant 0 : i32
      %dma_start3A_145 = tpu.memref_slice %arg5[%add3A, %dma_start3A_144] : memref<32x128xf32, #tpu.memory_space<hbm>> -> memref<1x128xf32, #tpu.memory_space<hbm>>
      %dma_start3A_146 = tpu.memref_squeeze %dma_start3A_145 : memref<1x128xf32, #tpu.memory_space<hbm>> -> memref<128xf32, #tpu.memory_space<hbm>>
      %dma_start3A_147 = arith.constant 0 : i32
      %dma_start3A_148 = tpu.memref_slice %arg5[%add3A, %dma_start3A_147] : memref<32x128xf32, #tpu.memory_space<hbm>> -> memref<1x128xf32, #tpu.memory_space<hbm>>
      %dma_start3A_149 = tpu.memref_squeeze %dma_start3A_148 : memref<1x128xf32, #tpu.memory_space<hbm>> -> memref<128xf32, #tpu.memory_space<hbm>>
      tpu.enqueue_dma source(%arg10 : memref<128xf32, #tpu.memory_space<vmem>>) target(%dma_start3A_149 : memref<128xf32, #tpu.memory_space<hbm>>) target_semaphore(%run_scoped3A : memref<!tpu.dma_semaphore, #tpu.memory_space<semaphore_mem>>)
      %dma_wait3A_150 = arith.constant 0 : i32
      %dma_wait3A_151 = tpu.memref_slice %arg5[%add3A, %dma_wait3A_150] : memref<32x128xf32, #tpu.memory_space<hbm>> -> memref<1x128xf32, #tpu.memory_space<hbm>>
      %dma_wait3A_152 = tpu.memref_squeeze %dma_wait3A_151 : memref<1x128xf32, #tpu.memory_space<hbm>> -> memref<128xf32, #tpu.memory_space<hbm>>
      %dma_wait3A_153 = arith.constant 0 : i32
      %dma_wait3A_154 = tpu.memref_slice %arg5[%add3A, %dma_wait3A_153] : memref<32x128xf32, #tpu.memory_space<hbm>> -> memref<1x128xf32, #tpu.memory_space<hbm>>
      %dma_wait3A_155 = tpu.memref_squeeze %dma_wait3A_154 : memref<1x128xf32, #tpu.memory_space<hbm>> -> memref<128xf32, #tpu.memory_space<hbm>>
      tpu.wait_dma2 semaphore(%run_scoped3A : memref<!tpu.dma_semaphore, #tpu.memory_space<semaphore_mem>>) src(%arg10 : memref<128xf32, #tpu.memory_space<vmem>>) dst(%dma_wait3A_155 : memref<128xf32, #tpu.memory_space<hbm>>)
      tpu.yield
    }) : () -> ()
    return
  }
}

module attributes {stable_mosaic.version = 14 : i64} {
  func.func @_tpose_pad_body(%arg0: i32, %arg1: memref<64x16384xf32, #tpu.memory_space<vmem>>, %arg2: memref<16384x128xf32, #tpu.memory_space<vmem>>) attributes {dimension_semantics = [#tpu.dimension_semantics<arbitrary>], iteration_bounds = array<i64: 1>, scalar_prefetch = 0 : i64, scratch_operands = 0 : i64, tpu.core_type = #tpu.core_type<tc>, window_params = [{transform_indices = @transform_0, window_bounds = array<i64: 64, 16384>}, {transform_indices = @transform_1, window_bounds = array<i64: 16384, 128>}]} {
    %get3A = arith.constant 0 : index
    %get3A_0 = arith.constant 0 : index
    %get3A_1 = vector.load %arg1[%get3A, %get3A_0] : memref<64x16384xf32, #tpu.memory_space<vmem>>, vector<64x16384xf32>
    %transpose3A = tpu.transpose %get3A_1, [1, 0] : vector<64x16384xf32> -> vector<16384x64xf32>
    %swap3A = arith.constant 0 : index
    %swap3A_2 = arith.constant 0 : index
    %swap3A_3 = vector.load %arg2[%swap3A, %swap3A_2] : memref<16384x128xf32, #tpu.memory_space<vmem>>, vector<16384x64xf32>
    tpu.vector_store %arg2[%swap3A, %swap3A_2], %transpose3A {strides = array<i32>} : memref<16384x128xf32, #tpu.memory_space<vmem>>, vector<16384x64xf32>,
    return
  }
  func.func @transform_0(%arg0: i32) -> (i32, i32) {
    %c0_i32 = arith.constant 0 : i32
    %c0_i32_0 = arith.constant 0 : i32
    return %c0_i32, %arg0 : i32, i32
  }
  func.func @transform_1(%arg0: i32) -> (i32, i32) {
    %c0_i32 = arith.constant 0 : i32
    %c0_i32_0 = arith.constant 0 : i32
    return %arg0, %c0_i32 : i32, i32
  }
}

module attributes {stable_mosaic.version = 14 : i64} {
  func.func @_tpose_pad_body(%arg0: i32, %arg1: memref<64x16384xf32, #tpu.memory_space<vmem>>, %arg2: memref<16384x128xf32, #tpu.memory_space<vmem>>) attributes {dimension_semantics = [#tpu.dimension_semantics<arbitrary>], iteration_bounds = array<i64: 7>, scalar_prefetch = 0 : i64, scratch_operands = 0 : i64, tpu.core_type = #tpu.core_type<tc>, window_params = [{transform_indices = @transform_0, window_bounds = array<i64: 64, 16384>}, {transform_indices = @transform_1, window_bounds = array<i64: 16384, 128>}]} {
    %get3A = arith.constant 0 : index
    %get3A_0 = arith.constant 0 : index
    %get3A_1 = vector.load %arg1[%get3A, %get3A_0] : memref<64x16384xf32, #tpu.memory_space<vmem>>, vector<64x16384xf32>
    %transpose3A = tpu.transpose %get3A_1, [1, 0] : vector<64x16384xf32> -> vector<16384x64xf32>
    %swap3A = arith.constant 0 : index
    %swap3A_2 = arith.constant 0 : index
    %swap3A_3 = vector.load %arg2[%swap3A, %swap3A_2] : memref<16384x128xf32, #tpu.memory_space<vmem>>, vector<16384x64xf32>
    tpu.vector_store %arg2[%swap3A, %swap3A_2], %transpose3A {strides = array<i32>} : memref<16384x128xf32, #tpu.memory_space<vmem>>, vector<16384x64xf32>,
    return
  }
  func.func @transform_0(%arg0: i32) -> (i32, i32) {
    %c0_i32 = arith.constant 0 : i32
    %c0_i32_0 = arith.constant 0 : i32
    return %c0_i32, %arg0 : i32, i32
  }
  func.func @transform_1(%arg0: i32) -> (i32, i32) {
    %c0_i32 = arith.constant 0 : i32
    %c0_i32_0 = arith.constant 0 : i32
    return %arg0, %c0_i32 : i32, i32
  }
}

</mosaic_0001>

<sc_bundles>
// kernel: kernel.5.cloned.1.call-start
scs
__scs_entry_jumppad:
0x0: {  	(pc) =	sbr.rel $0x88, $3  }
0x1: {  	(tag) =	ssettag $0x0;
	lr =	simm.s32 $0x1  }
0x2: {  	[smem:$0x3F9E] =	sst lr;
	_ =	strace $0xD0000000  }
0x3: {  	_ = 	snop  }
0x4: {  	_ = 	snop  }
0x5: {  	_ = 	snop  }
0x6: {  	_ = 	snop  }
0x7: {  	_ = 	snop  }
__scs_overlays_trampoline_lowered:
0x8: {  	[smem:$0x3FAD] =	sst s0  }
0x9: {  	[smem:$0x3FAE] =	sst s1  }
0xa: {  	[smem:$0x3FAF] =	sst s2  }
0xb: {  	[smem:$0x3FB0] =	sst s3  }
0xc: {  	[smem:$0x3FB1] =	sst s4  }
0xd: {  	[smem:$0x3FB2] =	sst s5  }
0xe: {  	[smem:$0x3FB3] =	sst s6  }
0xf: {  	[smem:$0x3FB4] =	sst s7  }
0x10: {  	[smem:$0x3FB5] =	sst s8  }
0x11: {  	[smem:$0x3FB6] =	sst s9;
	s0 =	simm.s32 @!p0 $0x0  }
0x12: {  	s1 =	sld [smem:$0x3F9C];
	s0 =	simm.s32 @p0 $0x1  }
0x13: {  	[smem:$0x3FB7] =	sst s0;
	s0 =	simm.s32 @!p1 $0x0  }
0x14: {  	s2 =	sld [smem:$0x3F9B];
	s0 =	simm.s32 @p1 $0x1  }
0x15: {  	[smem:$0x3FB8] =	sst s0;
	s0 =	simm.s32 @!p2 $0x0  }
0x16: {  	s3 =	sld [smem:$0x3FDB];
	s0 =	simm.s32 @p2 $0x1  }
0x17: {  	s4 =	simm.s32 $0x1BF5;
	[smem:$0x3FBA] =	sst s0  }
0x18: {  	s0 =	sld [smem:$0x3F9D];
	_ =	swait.ge [sflag:s4], $0x0  }
0x19: {  	s7 =	sld [smem:$0x3F9E]  }
0x1a: {  	s8 =	sadd.s32 $0xFFFFE003, lr  }
0x1b: {  	s9 =	sadd.s32 $0xFFFFFEF7, lr;
	s5 =	simm.s32 $0xFFFFFFFF;
	p2 =	slt.u32 s8, $0xFFFFF086  }
0x1c: {  	p1 =	slt.u32 s9, $0xF7A;
	s5 =	simm.s32 @!p2 $0x0  }
0x1d: {  	s5 =	simm.s32 @p1 $0x1;
	p0 =	seq.s32 s7, s2  }
0x1e: {  	s7 =	smul.u32 @!p0 $0xF7A, s2;
	p2 =	seq.s32 @!p0 s5, $0x0  }
0x1f: {  	s9 =	smul.u32 $0xF7A, s1;
	s8 =	simm.s32 @!p0 $0x1BF5;
	p2 =	por !p2, p0  }
0x20: {  	[sflag:s8] =	ssyncset.s32 @!p0 $0xFFFFF086;
	s6 =	sadd.s32 @!p0 s3, s7;
	s7 =	simm.s32 @!p0 $0x108  }
0x21: {  	s3 =	sadd.s32 s3, s9;
	s6 =	sadd.s32 @!p0 $0x88, s6;
	s7 =	simm.s32 @p2 $0x1082  }
0x22: {  	[simem:s7], [sflag:s8] =	dma.local @!p0 [hbm:s6], $0xF7A  }
0x23: {  	s9 =	sor.u32 $0xD0000000, s2;
	s6 =	simm.s32 $0x108;
	_ =	swait.ge @!p0 [sflag:s8], $0x0  }
0x24: {  	s3 =	sadd.s32 $0x88, s3;
	s6 =	simm.s32 @!p1 $0x1082;
	[sflag:s4] =	ssyncset.s32 $0xFFFFF086  }
0x25: {  	[simem:s6], [sflag:s4] =	dma.local [hbm:s3], $0xF7A  }
0x26: {  	[smem:$0x3F9E] =	sst s1;
	(tag) =	ssettag s2;
	_ =	strace s9  }
0x27: {  	s1 =	sld [smem:$0x3FAE]  }
0x28: {  	s2 =	sld [smem:$0x3FAF]  }
0x29: {  	s4 =	sld [smem:$0x3FB1]  }
0x2a: {  	p0 =	seq.s32 s5, $0x0;
	s5 =	sld [smem:$0x3FB2]  }
0x2b: {  	s6 =	sld [smem:$0x3FB3]  }
0x2c: {  	s7 =	sld [smem:$0x3FB4]  }
0x2d: {  	s3 =	simm.s32 $0x108;
	s8 =	sld [smem:$0x3FB5]  }
0x2e: {  	s3 =	simm.s32 @!p0 $0x1082;
	s9 =	sld [smem:$0x3FB6]  }
0x2f: {  	lr =	sadd.s32 s0, s3;
	s0 =	sld [smem:$0x3FAD]  }
0x30: {  	s3 =	sld [smem:$0x3FB0]  }
0x31: {  	[smem:$0x3FB9] =	sst s10  }
0x32: {  	s10 =	sld [smem:$0x3FB7];
	_ =	sdelay $0x3  }
0x33: {  	p0 =	seq.s32 s10, $0x1;
	s10 =	sld [smem:$0x3FB9];
	_ =	sdelay $0x3  }
0x34: {  	[smem:$0x3FB9] =	sst s10  }
0x35: {  	s10 =	sld [smem:$0x3FB8];
	_ =	sdelay $0x3  }
0x36: {  	p1 =	seq.s32 s10, $0x1;
	s10 =	sld [smem:$0x3FB9];
	_ =	sdelay $0x3  }
0x37: {  	[smem:$0x3FB9] =	sst s10  }
0x38: {  	s10 =	sld [smem:$0x3FBA]  }
0x39: {  	_ = 	snop;
	(pc) =	sbr.ind lr, $3  }
0x3a: {  	_ = 	snop  }
0x3b: {  	_ = 	snop  }
0x3c: {  	p2 =	seq.s32 s10, $0x1;
	s10 =	sld [smem:$0x3FB9]  }
0x3d: {  	_ =	shalt  }
0x3e: {  	_ =	shalt  }
0x3f: {  	_ =	shalt  }
0x40: {  	_ =	shalt  }
0x41: {  	_ =	shalt  }
0x42: {  	_ =	shalt  }
0x43: {  	_ =	shalt  }
0x44: {  	_ =	shalt  }
0x45: {  	_ =	shalt  }
0x46: {  	_ =	shalt  }
0x47: {  	_ =	shalt  }
0x48: {  	_ =	shalt  }
0x49: {  	_ =	shalt  }
0x4a: {  	_ =	shalt  }
0x4b: {  	_ =	shalt  }
0x4c: {  	_ =	shalt  }
0x4d: {  	_ =	shalt  }
0x4e: {  	_ =	shalt  }
0x4f: {  	_ =	shalt  }
0x50: {  	_ =	shalt  }
0x51: {  	_ =	shalt  }
0x52: {  	_ =	shalt  }
0x53: {  	_ =	shalt  }
0x54: {  	_ =	shalt  }
0x55: {  	_ =	shalt  }
0x56: {  	_ =	shalt  }
0x57: {  	_ =	shalt  }
0x58: {  	_ =	shalt  }
0x59: {  	_ =	shalt  }
0x5a: {  	_ =	shalt  }
0x5b: {  	_ =	shalt  }
0x5c: {  	_ =	shalt  }
0x5d: {  	_ =	shalt  }
0x5e: {  	_ =	shalt  }
0x5f: {  	_ =	shalt  }
0x60: {  	_ =	shalt  }
0x61: {  	_ =	shalt  }
0x62: {  	_ =	shalt  }
0x63: {  	_ =	shalt  }
0x64: {  	_ =	shalt  }
0x65: {  	_ =	shalt  }
0x66: {  	_ =	shalt  }
0x67: {  	_ =	shalt  }
0x68: {  	_ =	shalt  }
0x69: {  	_ =	shalt  }
0x6a: {  	_ =	shalt  }
0x6b: {  	_ =	shalt  }
0x6c: {  	_ =	shalt  }
0x6d: {  	_ =	shalt  }
0x6e: {  	_ =	shalt  }
0x6f: {  	_ =	shalt  }
0x70: {  	_ =	shalt  }
0x71: {  	_ =	shalt  }
0x72: {  	_ =	shalt  }
0x73: {  	_ =	shalt  }
0x74: {  	_ =	shalt  }
0x75: {  	_ =	shalt  }
0x76: {  	_ =	shalt  }
0x77: {  	_ =	shalt  }
0x78: {  	_ =	shalt  }
0x79: {  	_ =	shalt  }
0x7a: {  	_ =	shalt  }
0x7b: {  	_ =	shalt  }
0x7c: {  	_ =	shalt  }
0x7d: {  	_ =	shalt  }
0x7e: {  	_ =	shalt  }
0x7f: {  	_ =	shalt  }
0x80: {  	_ =	shalt  }
0x81: {  	_ =	shalt  }
0x82: {  	_ =	shalt  }
0x83: {  	_ =	shalt  }
0x84: {  	_ =	shalt  }
0x85: {  	_ =	shalt  }
0x86: {  	_ =	shalt  }
0x87: {  	_ =	shalt  }
.Lfunc_end0:
.L_simem_size_0:
called_computation_lowered:
.L_overlay_start_0:
0x88: {  	s2 =	sld [smem:$0x3FD9]  }
0x89: {  	s3 =	sld [smem:$0x3FFE];
	_ =	sdelay $0x1  }
0x8a: {  	s1 =	srdreg.scid  }
0x8b: {  	s0 =	sand.u32 $0x1, s1  }
0x8c: {  	s17 =	sshll.u32 s0, $0xA;
	s2 =	sadd.s32 s3, s2  }
0x8d: {  	s2 =	sadd.s32 s2, s17  }
0x8e: {  	[smem:$0x3FC5] =	sst s2  }
0x8f: {  	_ = 	snop  }
0x90: {  	s2 =	sld [smem:$0x3FC7];
	(tm) =	ssettm $0x1  }
0x91: {  	s18 =	sld [smem:$0x3FFB];
	_ =	sdelay $0x3  }
0x92: {  	_ =	strace s18  }
0x93: {  	s3 =	sld [smem:$0x3FFC];
	_ =	sdelay $0x3  }
0x94: {  	_ =	strace s3  }
0x95: {  	s3 =	sld [smem:$0x3FFD];
	_ =	sdelay $0x3  }
0x96: {  	_ =	strace s3  }
0x97: {  	_ =	strace $0x8FFFFFFF  }
0x98: {  	s19 =	sld [smem:$0x3FDB];
	_ =	sdelay $0x1  }
0x99: {  	s4 =	simm.s32 $_scs_section_size  }
0x9a: {  	s5 =	simm.s32 $_size__tile_overlayer_lowered;
	s6 =	simm.s32 $_tile_overlayer_lowered  }
0x9b: {  	s22 =	simm.s32 $0x1BFF;
	s21 =	sshll.u32 s6, $0x1;
	s3 =	sadd.s32 s4, s19  }
0x9c: {  	s7 =	simm.s32 $0x0;
	s20 =	sshll.u32 s5, $0x1;
	s5 =	sadd.s32 s21, s3  }
0x9d: {  	[timem:s7], [sflag:s22] =	dma.local [hbm:s5], s20  }
0x9e: {  	_ =	swait.ge [sflag:s22], s20  }
0x9f: {  	s4 =	ssub.s32 $0x0, s20;
	[sflag:s22] =	ssyncset.done $0x0  }
0xa0: {  	[sflag:s22] =	ssyncadd.s32 s4;
	_ =	sdelay $0x1  }
0xa1: {  	s23 =	simm.s32 $0x1B8B  }
0xa2: {  	_ =	swait.ge [sflag:s23], $0x1  }
0xa3: {  	[sflag:s23] =	ssyncset.done $0x0  }
0xa4: {  	s25 =	simm.s32 $0x1B8E;
	s24 =	sld [smem:$0x3FFE];
	[sflag:s23] =	ssyncadd.s32 $0xFFFFFFFF  }
0xa5: {  	s26 =	simm.s32 $execute0_lowered;
	[smem:$0x3FD2] =	sst s25  }
0xa6: {  	s5 =	sshll.u32 s26, $0x1;
	_ =	strace $0x80000046;
	[dreg:$0x1] =	wrdreg $0xFFFFFFFF  }
0xa7: {  	s28 =	simm.s32 $_size_execute0_lowered;
	s3 =	sadd.s32 s3, s5;
	[dreg:$0x0] =	wrdreg $0x0  }
0xa8: {  	s5 =	sshll.u32 s28, $0x1;
	[dreg:$0x2] =	wrdreg s3  }
0xa9: {  	[dreg:$0x3] =	wrdreg s5  }
0xaa: {  	[dreg:$0x4] =	wrdreg $0xC0  }
0xab: {  	_ =	task [dreg:s7], $0x5FFFF  }
0xac: {  	[dreg:$0x1] =	wrdreg $0xFFFFFFFF  }
0xad: {  	[dreg:$0x0] =	wrdreg $0x60  }
0xae: {  	[dreg:$0x2] =	wrdreg s2  }
0xaf: {  	[dreg:$0x3] =	wrdreg s24  }
0xb0: {  	[dreg:$0x4] =	wrdreg $0x9  }
0xb1: {  	_ =	task.clear_ibuf [dreg:s7], $0x5FFFF;
	_ =	strace $0x90000046  }
0xb2: {  	s29 =	simm.s32 $0x9;
	_ =	strace $0x80000048  }
0xb3: {  	_ =	swait.ge [sflag:s29], $0x1  }
0xb4: {  	[sflag:s29] =	ssyncadd.s32 $0xFFFFFFFF  }
0xb5: {  	_ =	strace $0x90000048  }
0xb6: {  	_ =	sfence  }
0xb7: {  	s30 =	sld [smem:$0x0];
	_ =	sdelay $0x2  }
0xb8: {  	s31 =	sshll.u32 s1, $0xD;
	s1 =	sshrl.u32 s1, $0x2  }
0xb9: {  	s3 =	sand.u32 $0x4000, s31;
	s1 =	sadd.s32 s1, s30  }
0xba: {  	s0 =	sor.u32 s3, s0;
	s1 =	sshll.u32 s1, $0x11  }
0xbb: {  	s0 =	sor.u32 s1, s0  }
0xbc: {  	s0 =	sadd.s32 $0x8F2B, s0  }
0xbd: {  	[sflag:s0] =	ssyncadd.remote.s32 $0x1  }
0xbe: {  	_ =	sfence.sel $0xFFFF  }
0xbf: {  	[dreg:$0x0] =	wrdreg $0xFFFFFFFF;
	(pc) =	sbr.abs _section_cstart, $3  }
0xc0: {  	[dreg:$0x1] =	wrdreg $0xFFFFFFFF  }
0xc1: {  	_ =	task.clear_ibuf [dreg:s7], $0x2FFFF;
	_ =	strace $0x9FFFFFFF  }
0xc2: {  	(tm) =	ssettm $0x7FFFFFFF  }
0xc3: {  	_ =	shalt  }
tec
execute0_lowered:
.L_overlay_start_1:
0x0: {  	(tag) =	ssettag $0x1  }
0x1: {  	s5 =	rddreg [dreg:$0x0];
	s1 =	srdreg.scid  }
0x2: {  	s0 =	stileid.u32;
	s4 =	rddreg [dreg:$0x1];
	s2 =	simm.s32 $0x0  }
0x3: {  	s11 =	simm.s32 $0x10200;
	s12 =	simm.s32 $0x3;
	s13 =	simm.s32 $0x14200  }
0x4: {  	s14 =	simm.s32 $0x1;
	s15 =	simm.s32 $0x100;
	s16 =	simm.s32 $0x2  }
0x5: {  	s17 =	simm.s32 $0x180;
	s18 =	simm.s32 $0x18200;
	s19 =	simm.s32 $0x0  }
0x6: {  	s6 =	sand.u32 $0x1, s1;
	s3 =	sshll.u32 s0, $0x1;
	s1 =	rddreg [dreg:$0x2]  }
0x7: {  	[smem:$0x7FF] =	sst s2;
	s31 =	sshll.u32 s0, $0x7;
	s7 =	sor.u32 s6, s3  }
0x8: {  	_ =	strace $0x80000047;
	s9 =	ssub.s32 $0x2, s6;
	s6 =	sshll.u32 s6, $0x6  }
0x9: {  	s3 =	sshll.u32 s7, $0xD;
	s7 =	sshll.u32 s7, $0x4;
	s10 =	sshrl.u32 s9, $0x1  }
0xa: {  	s5 =	sadd.s32 s5, s6;
	s8 =	sadd.s32 s3, s4;
	s3 =	sadd.s32 $0x40400, s4  }
0xb: {  	s7 =	sadd.s32 s7, s4;
	s9 =	ssub.s32 s9, s10;
	s5 =	sadd.s32 s31, s5  }
0xc: {  	s10 =	simm.s32 $0x80;
	s4 =	sadd.s32 $0x400, s8;
	s6 =	sadd.s32 $0x1C6E00, s7  }
0xd: {  	s7 =	smax.u32 s9, $0x1;
	s8 =	simm.s32 $0x200;
	s9 =	simm.s32 $0x4  }
.LBB2_1:
0xe: {  	[tilespmem:s8], [sflag:$0x3] =	stream.linear.gather [hbm4b:s4+s2], $0x10000, $0x38;
	[tilespmem:$0x18280] =	vst v63  }
0xf: {  	_ = 	snop  }
0x10: {  	[tilespmem:s2], [sflag:$0x4] =	stream.linear.gather [hbm4b:s5+s2], $0x200, $0x38;
	[tilespmem:$0x18280] =	vst v63  }
0x11: {  	_ =	swait.ge [sflag:s9], $0x200  }
0x12: {  	[sflag:s9] =	ssyncset.done $0x0  }
0x13: {  	[sflag:s9] =	ssyncadd.s32 $0xFFFFFE00  }
0x14: {  	[tilespmem:s11], [sflag:$0x1] =	stream.indirect.gather [hbm4b:s3+s10], $0x80, s2, s10, $0xb8;
	[tilespmem:$0x18280] =	vst v63  }
0x15: {  	_ =	swait.ge [sflag:s12], $0x10000  }
0x16: {  	[sflag:s12] =	ssyncset.done $0x0  }
0x17: {  	[sflag:s12] =	ssyncadd.s32 $0xFFFF0000  }
0x18: {  	[tilespmem:s13], [sflag:$0x2] =	stream.indirect.gather [hbm4b:s3+s10], $0x80, s10, s10, $0xb8;
	[tilespmem:$0x18280] =	vst v63  }
0x19: {  	_ =	swait.ge [sflag:s14], $0x4000  }
0x1a: {  	[sflag:s14] =	ssyncset.done $0x0  }
0x1b: {  	s20 =	simm.s32 $0x0;
	[sflag:s14] =	ssyncadd.s32 $0xFFFFC000  }
0x1c: {  	v0 =	vld [tilespmem:s20+$0x2B0]  }
0x1d: {  	v1 =	vld [tilespmem:s20+$0x102B0]  }
0x1e: {  	v2 =	vld [tilespmem:s20+$0x200]  }
0x1f: {  	v3 =	vld [tilespmem:s20+$0x10200]  }
0x20: {  	v4 =	vld [tilespmem:s20+$0x210]  }
0x21: {  	v5 =	vld [tilespmem:s20+$0x10210]  }
0x22: {  	v6 =	vld [tilespmem:s20+$0x220]  }
0x23: {  	v7 =	vld [tilespmem:s20+$0x10230]  }
0x24: {  	v12 =	vld [tilespmem:s20+$0x290]  }
0x25: {  	v14 =	vld [tilespmem:s20+$0x10290]  }
0x26: {  	v0 =	vsub.f32 v0, v1;
	v1 =	vld [tilespmem:s20+$0x10220]  }
0x27: {  	v2 =	vsub.f32 v2, v3;
	v3 =	vld [tilespmem:s20+$0x230];
	_ =	sdelay $0x1  }
0x28: {  	v11 =	vld [tilespmem:s20+$0x10280];
	v4 =	vsub.f32 v4, v5;
	v0 =	vand.u32 $0x7FFFFFFF, v0;
	v2 =	vand.u32 $0x7FFFFFFF, v2  }
0x29: {  	v5 =	vld [tilespmem:s20+$0x280];
	v21 =	vsub.f32 v12, v14;
	v9 =	vmin.f32 v0, $1.000000000e+00;
	v10 =	vmin.f32 v2, $1.000000000e+00  }
0x2a: {  	v4 =	vand.u32 $0x7FFFFFFF, v4;
	v8 =	vmul.f32 $5.000000000e-01, v9;
	v13 =	vmul.f32 $5.000000000e-01, v10  }
0x2b: {  	v6 =	vsub.f32 v6, v1;
	v1 =	vimm.f32 $0.0e+00;
	v3 =	vsub.f32 v3, v7  }
0x2c: {  	v0 =	vsub.f32 v0, v8;
	v8 =	vmin.f32 v4, $1.000000000e+00;
	v2 =	vsub.f32 v2, v13  }
0x2d: {  	v6 =	vand.u32 $0x7FFFFFFF, v6;
	v7 =	vmul.f32 $5.000000000e-01, v8;
	v13 =	vand.u32 $0x7FFFFFFF, v3  }
0x2e: {  	v15 =	vld [tilespmem:s20+$0x2A0];
	v3 =	vsub.f32 v5, v11;
	v5 =	vimm.f32 $0.0e+00;
	v0 =	vmul.f32 v0, v9  }
0x2f: {  	v20 =	vld [tilespmem:s20+$0x102A0];
	v9 =	vmin.f32 v6, $1.000000000e+00;
	v11 =	vmin.f32 v13, $1.000000000e+00;
	v10 =	vmul.f32 v2, v10  }
0x30: {  	v2 =	vimm.f32 $0.0e+00;
	v16 =	vsub.f32 v4, v7;
	v4 =	vmul.f32 $5.000000000e-01, v9  }
0x31: {  	v19 =	vmul.f32 $5.000000000e-01, v11;
	v17 =	vand.u32 $0x7FFFFFFF, v3;
	v7 =	vimm.f32 $0.0e+00  }
0x32: {  	s20 =	simm.s32 $0x100;
	v3 =	vimm.f32 $0.0e+00;
	v0 =	vadd.f32 v0, v1;
	v14 =	vmin.f32 v17, $1.000000000e+00  }
0x33: {  	s21 =	simm.s32 $0x800;
	v12 =	vld [tilespmem:s20+$0x2B0];
	v18 =	vsub.f32 v6, v4;
	v6 =	vimm.f32 $0.0e+00;
	v4 =	vimm.f32 $0.0e+00  }
.LBB2_2:
0x34: {  	p0 =	sne.s32 s21, $0xFC00;
	v22 =	vld [tilespmem:s20+$0x102B0];
	v23 =	vmul.f32 $5.000000000e-01, v14;
	v21 =	vand.u32 $0x7FFFFFFF, v21;
	v15 =	vsub.f32 v15, v20  }
0x35: {  	v8 =	vmul.f32 v16, v8;
	v13 =	vsub.f32 v13, v19;
	v20 =	vld [tilespmem:s20+$0x200];
	v16 =	vmin.f32 v21, $1.000000000e+00  }
0x36: {  	v19 =	vld [tilespmem:s20+$0x10200];
	v17 =	vsub.f32 v17, v23;
	v23 =	vmul.f32 $5.000000000e-01, v16;
	v15 =	vand.u32 $0x7FFFFFFF, v15  }
0x37: {  	v9 =	vmul.f32 v18, v9;
	v11 =	vmul.f32 v13, v11;
	v24 =	vld [tilespmem:s20+$0x210];
	v13 =	vmin.f32 v15, $1.000000000e+00  }
0x38: {  	v18 =	vld [tilespmem:s20+$0x10210];
	v14 =	vmul.f32 v17, v14;
	v17 =	vsub.f32 v21, v23;
	v21 =	vmul.f32 $5.000000000e-01, v13  }
0x39: {  	v1 =	vadd.f32 v10, v1;
	v23 =	vld [tilespmem:s20+$0x220];
	v12 =	vsub.f32 v12, v22  }
0x3a: {  	v7 =	vadd.f32 v8, v7;
	v10 =	vld [tilespmem:s20+$0x10220];
	v8 =	vmul.f32 v17, v16;
	v15 =	vsub.f32 v15, v21  }
0x3b: {  	v6 =	vadd.f32 v9, v6;
	v16 =	vsub.f32 v20, v19;
	v17 =	vld [tilespmem:s20+$0x230];
	v12 =	vand.u32 $0x7FFFFFFF, v12  }
0x3c: {  	v5 =	vadd.f32 v11, v5;
	v9 =	vld [tilespmem:s20+$0x10230];
	v19 =	vmin.f32 v12, $1.000000000e+00;
	v11 =	vmul.f32 v15, v13  }
0x3d: {  	v13 =	vand.u32 $0x7FFFFFFF, v16;
	v15 =	vsub.f32 v24, v18;
	v16 =	vld [tilespmem:s20+$0x280];
	v18 =	vmul.f32 $5.000000000e-01, v19  }
0x3e: {  	v4 =	vadd.f32 v14, v4;
	v3 =	vadd.f32 v8, v3;
	v22 =	vmin.f32 v13, $1.000000000e+00;
	v21 =	vld [tilespmem:s20+$0x10280]  }
0x3f: {  	v14 =	vand.u32 $0x7FFFFFFF, v15;
	v10 =	vsub.f32 v23, v10;
	v23 =	vld [tilespmem:s20+$0x290];
	v12 =	vsub.f32 v12, v18  }
0x40: {  	v2 =	vadd.f32 v11, v2;
	v18 =	vmul.f32 $5.000000000e-01, v22;
	v8 =	vmin.f32 v14, $1.000000000e+00;
	v24 =	vld [tilespmem:s20+$0x10290]  }
0x41: {  	v25 =	vand.u32 $0x7FFFFFFF, v10;
	v10 =	vsub.f32 v17, v9;
	v15 =	vld [tilespmem:s20+$0x2A0];
	v11 =	vmul.f32 v12, v19  }
.Ltmp0:
0x42: {  	v18 =	vsub.f32 v13, v18;
	v12 =	vmul.f32 $5.000000000e-01, v8;
	v9 =	vmin.f32 v25, $1.000000000e+00;
	v20 =	vld [tilespmem:s20+$0x102A0];
	(pc) =	sbr.rel @p0 .LBB2_2-.Ltmp0, $4  }
0x43: {  	v13 =	vand.u32 $0x7FFFFFFF, v10;
	v10 =	vsub.f32 v16, v21;
	v0 =	vadd.f32 v11, v0  }
0x44: {  	v16 =	vsub.f32 v14, v12;
	v14 =	vmul.f32 $5.000000000e-01, v9;
	v11 =	vmin.f32 v13, $1.000000000e+00  }
0x45: {  	s20 =	sshra.s32 s21, $0x2;
	v19 =	vmul.f32 $5.000000000e-01, v11;
	v17 =	vand.u32 $0x7FFFFFFF, v10;
	v21 =	vsub.f32 v23, v24  }
0x46: {  	s21 =	sadd.s32 $0x400, s21;
	v10 =	vmul.f32 v18, v22;
	v18 =	vsub.f32 v25, v14;
	v12 =	vld [tilespmem:s20+$0x2B0];
	v14 =	vmin.f32 v17, $1.000000000e+00  }
0x47: {  	v22 =	vld [tilespmem:s20+$0x102B0];
	v21 =	vand.u32 $0x7FFFFFFF, v21;
	v24 =	vmul.f32 $5.000000000e-01, v14  }
0x48: {  	v23 =	vld [tilespmem:s20+$0x200];
	v15 =	vsub.f32 v15, v20;
	v8 =	vmul.f32 v16, v8;
	v13 =	vsub.f32 v13, v19  }
0x49: {  	v25 =	vld [tilespmem:s20+$0x10200];
	v20 =	vmin.f32 v21, $1.000000000e+00;
	v9 =	vmul.f32 v18, v9;
	v1 =	vadd.f32 v10, v1  }
0x4a: {  	v19 =	vld [tilespmem:s20+$0x210];
	v16 =	vmul.f32 $5.000000000e-01, v20;
	v17 =	vsub.f32 v17, v24;
	v15 =	vand.u32 $0x7FFFFFFF, v15  }
0x4b: {  	v18 =	vld [tilespmem:s20+$0x10210];
	v11 =	vmul.f32 v13, v11;
	v7 =	vadd.f32 v8, v7;
	v13 =	vmin.f32 v15, $1.000000000e+00  }
0x4c: {  	v10 =	vld [tilespmem:s20+$0x230];
	v6 =	vadd.f32 v9, v6;
	v14 =	vmul.f32 v17, v14;
	v17 =	vmul.f32 $5.000000000e-01, v13  }
0x4d: {  	v16 =	vsub.f32 v21, v16;
	v21 =	vld [tilespmem:s20+$0x220];
	v12 =	vsub.f32 v12, v22  }
0x4e: {  	v5 =	vadd.f32 v11, v5;
	v22 =	vld [tilespmem:s20+$0x10220];
	v15 =	vsub.f32 v15, v17  }
0x4f: {  	v11 =	vld [tilespmem:s20+$0x280];
	v8 =	vmul.f32 v16, v20;
	v16 =	vsub.f32 v23, v25;
	v12 =	vand.u32 $0x7FFFFFFF, v12  }
0x50: {  	v17 =	vld [tilespmem:s20+$0x10230];
	v4 =	vadd.f32 v14, v4;
	v9 =	vmin.f32 v12, $1.000000000e+00;
	v13 =	vmul.f32 v15, v13  }
0x51: {  	v14 =	vld [tilespmem:s20+$0x290];
	v15 =	vand.u32 $0x7FFFFFFF, v16;
	v16 =	vsub.f32 v19, v18;
	v19 =	vmul.f32 $5.000000000e-01, v9  }
0x52: {  	v18 =	vld [tilespmem:s20+$0x10280];
	v8 =	vadd.f32 v8, v3;
	v20 =	vmin.f32 v15, $1.000000000e+00  }
0x53: {  	v23 =	vld [tilespmem:s20+$0x2A0];
	v3 =	vand.u32 $0x7FFFFFFF, v16;
	v16 =	vsub.f32 v21, v22;
	v12 =	vsub.f32 v12, v19  }
0x54: {  	v21 =	vld [tilespmem:s20+$0x10290];
	v2 =	vadd.f32 v13, v2;
	v19 =	vmul.f32 $5.000000000e-01, v20;
	v22 =	vmin.f32 v3, $1.000000000e+00  }
0x55: {  	v10 =	vsub.f32 v10, v17;
	v13 =	vand.u32 $0x7FFFFFFF, v16;
	v16 =	vld [tilespmem:s20+$0x102A0];
	[tilespmem:s11], [sflag:$0x1] =	stream.indirect.gather [hbm4b:s3+s10], $0x80, s15, s10, $0xb8;
	v9 =	vmul.f32 v12, v9  }
0x56: {  	v12 =	vsub.f32 v15, v19;
	v15 =	vmul.f32 $5.000000000e-01, v22;
	v17 =	vmin.f32 v13, $1.000000000e+00;
	_ =	swait.ge [sflag:s16], $0x4000  }
0x57: {  	v10 =	vand.u32 $0x7FFFFFFF, v10;
	v11 =	vsub.f32 v11, v18;
	[sflag:s16] =	ssyncset.done $0x0;
	v18 =	vadd.f32 v9, v0  }
0x58: {  	s31 =	simm.s32 $0x0;
	v0 =	vmul.f32 $5.000000000e-01, v17;
	v9 =	vmin.f32 v10, $1.000000000e+00;
	v3 =	vsub.f32 v3, v15;
	[sflag:s16] =	ssyncadd.s32 $0xFFFFC000  }
0x59: {  	v14 =	vsub.f32 v14, v21;
	v11 =	vand.u32 $0x7FFFFFFF, v11;
	v12 =	vmul.f32 v12, v20;
	v20 =	vld [tilespmem:s31+$0x142B0]  }
0x5a: {  	v15 =	vmul.f32 $5.000000000e-01, v9;
	v19 =	vmin.f32 v11, $1.000000000e+00;
	v62 =	vld [tilespmem:s31+$0x4200];
	v0 =	vsub.f32 v13, v0  }
0x5b: {  	v13 =	vld [tilespmem:s31+$0x42B0];
	v14 =	vand.u32 $0x7FFFFFFF, v14;
	v16 =	vsub.f32 v23, v16;
	v21 =	vmul.f32 $5.000000000e-01, v19  }
0x5c: {  	v63 =	vld [tilespmem:s31+$0x14210];
	v22 =	vmul.f32 v3, v22;
	v23 =	vmin.f32 v14, $1.000000000e+00;
	v3 =	vsub.f32 v10, v15  }
0x5d: {  	v10 =	vmul.f32 $5.000000000e-01, v23;
	v15 =	vand.u32 $0x7FFFFFFF, v16;
	v16 =	vld [tilespmem:s31+$0x14200];
	v11 =	vsub.f32 v11, v21  }
0x5e: {  	v0 =	vmul.f32 v0, v17;
	v21 =	vld [tilespmem:s31+$0x4210];
	v17 =	vmin.f32 v15, $1.000000000e+00;
	v9 =	vmul.f32 v3, v9  }
0x5f: {  	v3 =	vadd.f32 v12, v1;
	v10 =	vsub.f32 v14, v10;
	v14 =	vmul.f32 $5.000000000e-01, v17  }
0x60: {  	v1 =	vld [tilespmem:s31+$0x4220];
	v0 =	vadd.f32 v0, v6;
	v12 =	vsub.f32 v13, v20  }
0x61: {  	v11 =	vmul.f32 v11, v19;
	v5 =	vadd.f32 v9, v5;
	v13 =	vsub.f32 v15, v14;
	v14 =	vld [tilespmem:s31+$0x14220]  }
0x62: {  	v10 =	vmul.f32 v10, v23;
	v15 =	vld [tilespmem:s31+$0x4230];
	v6 =	vsub.f32 v62, v16;
	v12 =	vand.u32 $0x7FFFFFFF, v12  }
0x63: {  	v19 =	vsub.f32 v21, v63;
	v9 =	vmul.f32 v13, v17;
	v13 =	vld [tilespmem:s31+$0x14230];
	v16 =	vmin.f32 v12, $1.000000000e+00  }
0x64: {  	v7 =	vadd.f32 v22, v7;
	v20 =	vld [tilespmem:s31+$0x4280];
	v17 =	vand.u32 $0x7FFFFFFF, v6;
	v21 =	vmul.f32 $5.000000000e-01, v16  }
0x65: {  	v6 =	vadd.f32 v11, v4;
	v4 =	vadd.f32 v10, v8;
	v10 =	vld [tilespmem:s31+$0x14280];
	v19 =	vand.u32 $0x7FFFFFFF, v19  }
0x66: {  	v22 =	vld [tilespmem:s31+$0x4290];
	v11 =	vmin.f32 v17, $1.000000000e+00;
	v14 =	vsub.f32 v1, v14;
	v12 =	vsub.f32 v12, v21  }
0x67: {  	v8 =	vmin.f32 v19, $1.000000000e+00;
	v1 =	vadd.f32 v9, v2;
	v2 =	vmul.f32 $5.000000000e-01, v11;
	v21 =	vld [tilespmem:s31+$0x14290]  }
0x68: {  	v23 =	vand.u32 $0x7FFFFFFF, v14;
	v13 =	vsub.f32 v15, v13;
	v12 =	vmul.f32 v12, v16;
	v14 =	vld [tilespmem:s31+$0x42A0]  }
0x69: {  	v15 =	vsub.f32 v17, v2;
	v16 =	vmul.f32 $5.000000000e-01, v8;
	v17 =	vld [tilespmem:s31+$0x142A0];
	v9 =	vmin.f32 v23, $1.000000000e+00  }
0x6a: {  	v10 =	vsub.f32 v20, v10;
	v13 =	vand.u32 $0x7FFFFFFF, v13;
	v2 =	vadd.f32 v12, v18  }
0x6b: {  	v16 =	vsub.f32 v19, v16;
	v19 =	vmul.f32 $5.000000000e-01, v9;
	v11 =	vmul.f32 v15, v11  }
0x6c: {  	s20 =	simm.s32 $0x100;
	v12 =	vmin.f32 v13, $1.000000000e+00;
	v18 =	vand.u32 $0x7FFFFFFF, v10;
	v21 =	vsub.f32 v22, v21  }
0x6d: {  	s21 =	simm.s32 $0x800;
	v10 =	vld [tilespmem:s20+$0x42B0];
	v20 =	vmul.f32 $5.000000000e-01, v12;
	v19 =	vsub.f32 v23, v19;
	v15 =	vmin.f32 v18, $1.000000000e+00  }
.LBB2_4:
0x6e: {  	p0 =	sne.s32 s21, $0xFC00;
	v22 =	vld [tilespmem:s20+$0x142B0];
	v23 =	vmul.f32 $5.000000000e-01, v15;
	v21 =	vand.u32 $0x7FFFFFFF, v21;
	v14 =	vsub.f32 v14, v17  }
0x6f: {  	v8 =	vmul.f32 v16, v8;
	v13 =	vsub.f32 v13, v20;
	v17 =	vld [tilespmem:s20+$0x4200];
	v16 =	vmin.f32 v21, $1.000000000e+00  }
0x70: {  	v20 =	vld [tilespmem:s20+$0x14200];
	v18 =	vsub.f32 v18, v23;
	v23 =	vmul.f32 $5.000000000e-01, v16;
	v14 =	vand.u32 $0x7FFFFFFF, v14  }
0x71: {  	v9 =	vmul.f32 v19, v9;
	v12 =	vmul.f32 v13, v12;
	v24 =	vld [tilespmem:s20+$0x4210];
	v13 =	vmin.f32 v14, $1.000000000e+00  }
0x72: {  	v19 =	vld [tilespmem:s20+$0x14210];
	v15 =	vmul.f32 v18, v15;
	v18 =	vsub.f32 v21, v23;
	v21 =	vmul.f32 $5.000000000e-01, v13  }
0x73: {  	v3 =	vadd.f32 v11, v3;
	v23 =	vld [tilespmem:s20+$0x4220];
	v10 =	vsub.f32 v10, v22  }
0x74: {  	v7 =	vadd.f32 v8, v7;
	v11 =	vld [tilespmem:s20+$0x14220];
	v8 =	vmul.f32 v18, v16;
	v14 =	vsub.f32 v14, v21  }
0x75: {  	v0 =	vadd.f32 v9, v0;
	v16 =	vsub.f32 v17, v20;
	v17 =	vld [tilespmem:s20+$0x4230];
	v10 =	vand.u32 $0x7FFFFFFF, v10  }
0x76: {  	v5 =	vadd.f32 v12, v5;
	v9 =	vld [tilespmem:s20+$0x14230];
	v18 =	vmin.f32 v10, $1.000000000e+00;
	v12 =	vmul.f32 v14, v13  }
0x77: {  	v13 =	vand.u32 $0x7FFFFFFF, v16;
	v14 =	vsub.f32 v24, v19;
	v16 =	vld [tilespmem:s20+$0x4280];
	v19 =	vmul.f32 $5.000000000e-01, v18  }
0x78: {  	v6 =	vadd.f32 v15, v6;
	v4 =	vadd.f32 v8, v4;
	v22 =	vmin.f32 v13, $1.000000000e+00;
	v20 =	vld [tilespmem:s20+$0x14280]  }
0x79: {  	v15 =	vand.u32 $0x7FFFFFFF, v14;
	v11 =	vsub.f32 v23, v11;
	v21 =	vld [tilespmem:s20+$0x4290];
	v10 =	vsub.f32 v10, v19  }
0x7a: {  	v1 =	vadd.f32 v12, v1;
	v19 =	vmul.f32 $5.000000000e-01, v22;
	v8 =	vmin.f32 v15, $1.000000000e+00;
	v23 =	vld [tilespmem:s20+$0x14290]  }
0x7b: {  	v24 =	vand.u32 $0x7FFFFFFF, v11;
	v11 =	vsub.f32 v17, v9;
	v14 =	vld [tilespmem:s20+$0x42A0];
	v10 =	vmul.f32 v10, v18  }
.Ltmp1:
0x7c: {  	v19 =	vsub.f32 v13, v19;
	v12 =	vmul.f32 $5.000000000e-01, v8;
	v9 =	vmin.f32 v24, $1.000000000e+00;
	v17 =	vld [tilespmem:s20+$0x142A0];
	(pc) =	sbr.rel @p0 .LBB2_4-.Ltmp1, $4  }
0x7d: {  	v13 =	vand.u32 $0x7FFFFFFF, v11;
	v11 =	vsub.f32 v16, v20;
	v2 =	vadd.f32 v10, v2  }
0x7e: {  	v16 =	vsub.f32 v15, v12;
	v15 =	vmul.f32 $5.000000000e-01, v9;
	v12 =	vmin.f32 v13, $1.000000000e+00  }
0x7f: {  	s20 =	sshra.s32 s21, $0x2;
	v20 =	vmul.f32 $5.000000000e-01, v12;
	v18 =	vand.u32 $0x7FFFFFFF, v11;
	v21 =	vsub.f32 v21, v23  }
0x80: {  	s21 =	sadd.s32 $0x400, s21;
	v11 =	vmul.f32 v19, v22;
	v19 =	vsub.f32 v24, v15;
	v10 =	vld [tilespmem:s20+$0x42B0];
	v15 =	vmin.f32 v18, $1.000000000e+00  }
0x81: {  	v22 =	vld [tilespmem:s20+$0x142B0]  }
0x82: {  	v23 =	vld [tilespmem:s20+$0x4200]  }
0x83: {  	v21 =	vand.u32 $0x7FFFFFFF, v21;
	v24 =	vmul.f32 $5.000000000e-01, v15;
	v14 =	vsub.f32 v14, v17;
	v25 =	vld [tilespmem:s20+$0x14200]  }
0x84: {  	v8 =	vmul.f32 v16, v8;
	v13 =	vsub.f32 v13, v20;
	v20 =	vld [tilespmem:s20+$0x4210];
	v17 =	vmin.f32 v21, $1.000000000e+00  }
0x85: {  	v9 =	vmul.f32 v19, v9;
	v19 =	vld [tilespmem:s20+$0x14210];
	v16 =	vmul.f32 $5.000000000e-01, v17;
	v18 =	vsub.f32 v18, v24  }
0x86: {  	v3 =	vadd.f32 v11, v3;
	v11 =	vld [tilespmem:s20+$0x4230];
	v14 =	vand.u32 $0x7FFFFFFF, v14;
	v12 =	vmul.f32 v13, v12  }
0x87: {  	v13 =	vmin.f32 v14, $1.000000000e+00;
	v16 =	vsub.f32 v21, v16;
	v21 =	vld [tilespmem:s20+$0x4220];
	v15 =	vmul.f32 v18, v15  }
0x88: {  	v18 =	vmul.f32 $5.000000000e-01, v13;
	v5 =	vadd.f32 v12, v5;
	v12 =	vld [tilespmem:s20+$0x4280];
	v10 =	vsub.f32 v10, v22  }
0x89: {  	v7 =	vadd.f32 v8, v7;
	v22 =	vld [tilespmem:s20+$0x14220];
	v8 =	vmul.f32 v16, v17  }
0x8a: {  	v14 =	vsub.f32 v14, v18;
	v16 =	vsub.f32 v23, v25;
	v17 =	vld [tilespmem:s20+$0x14230];
	v10 =	vand.u32 $0x7FFFFFFF, v10  }
0x8b: {  	v0 =	vadd.f32 v9, v0;
	v18 =	vld [tilespmem:s20+$0x14280];
	v9 =	vmin.f32 v10, $1.000000000e+00  }
0x8c: {  	v13 =	vmul.f32 v14, v13;
	v14 =	vand.u32 $0x7FFFFFFF, v16;
	v16 =	vsub.f32 v20, v19  }
0x8d: {  	v6 =	vadd.f32 v15, v6;
	v8 =	vadd.f32 v8, v4;
	v19 =	vmul.f32 $5.000000000e-01, v9  }
0x8e: {  	v15 =	vld [tilespmem:s20+$0x4290];
	v20 =	vmin.f32 v14, $1.000000000e+00;
	v4 =	vand.u32 $0x7FFFFFFF, v16;
	v16 =	vsub.f32 v21, v22  }
0x8f: {  	v21 =	vld [tilespmem:s20+$0x14290];
	v1 =	vadd.f32 v13, v1;
	v10 =	vsub.f32 v10, v19;
	v19 =	vmul.f32 $5.000000000e-01, v20  }
0x90: {  	v23 =	vld [tilespmem:s20+$0x42A0];
	v22 =	vmin.f32 v4, $1.000000000e+00;
	v11 =	vsub.f32 v11, v17;
	v12 =	vsub.f32 v12, v18  }
0x91: {  	v13 =	vand.u32 $0x7FFFFFFF, v16;
	v16 =	vld [tilespmem:s20+$0x142A0];
	[tilespmem:s13], [sflag:$0x2] =	stream.indirect.gather [hbm4b:s3+s10], $0x80, s17, s10, $0xb8;
	v9 =	vmul.f32 v10, v9;
	v10 =	vsub.f32 v14, v19  }
0x92: {  	v14 =	vmul.f32 $5.000000000e-01, v22;
	v11 =	vand.u32 $0x7FFFFFFF, v11;
	_ =	swait.ge [sflag:s14], $0x4000;
	v12 =	vand.u32 $0x7FFFFFFF, v12  }
0x93: {  	v17 =	vmin.f32 v13, $1.000000000e+00;
	v18 =	vmin.f32 v11, $1.000000000e+00;
	[sflag:s14] =	ssyncset.done $0x0;
	v19 =	vmin.f32 v12, $1.000000000e+00  }
0x94: {  	s31 =	simm.s32 $0x0;
	v2 =	vadd.f32 v9, v2;
	v9 =	vmul.f32 $5.000000000e-01, v17;
	v15 =	vsub.f32 v15, v21;
	[sflag:s14] =	ssyncadd.s32 $0xFFFFC000  }
0x95: {  	v4 =	vsub.f32 v4, v14;
	v14 =	vmul.f32 $5.000000000e-01, v18;
	v10 =	vmul.f32 v10, v20;
	v20 =	vld [tilespmem:s31+$0x102B0]  }
0x96: {  	v9 =	vsub.f32 v13, v9;
	v13 =	vld [tilespmem:s31+$0x82B0];
	v15 =	vand.u32 $0x7FFFFFFF, v15;
	v16 =	vsub.f32 v23, v16  }
0x97: {  	v21 =	vmul.f32 $5.000000000e-01, v19;
	v62 =	vld [tilespmem:s31+$0x10200];
	v4 =	vmul.f32 v4, v22;
	v22 =	vmin.f32 v15, $1.000000000e+00  }
0x98: {  	v23 =	vld [tilespmem:s31+$0x8200];
	v11 =	vsub.f32 v11, v14;
	v14 =	vmul.f32 $5.000000000e-01, v22;
	v16 =	vand.u32 $0x7FFFFFFF, v16  }
0x99: {  	v12 =	vsub.f32 v12, v21;
	v21 =	vld [tilespmem:s31+$0x8210];
	v9 =	vmul.f32 v9, v17;
	v17 =	vmin.f32 v16, $1.000000000e+00  }
0x9a: {  	v11 =	vmul.f32 v11, v18;
	v18 =	vld [tilespmem:s31+$0x10210];
	v14 =	vsub.f32 v15, v14;
	v15 =	vmul.f32 $5.000000000e-01, v17  }
0x9b: {  	v3 =	vadd.f32 v10, v3;
	v13 =	vsub.f32 v13, v20  }
0x9c: {  	v10 =	vld [tilespmem:s31+$0x8220];
	v12 =	vmul.f32 v12, v19;
	v7 =	vadd.f32 v4, v7;
	v15 =	vsub.f32 v16, v15  }
0x9d: {  	v0 =	vadd.f32 v9, v0;
	v4 =	vadd.f32 v11, v5;
	v16 =	vld [tilespmem:s31+$0x10220];
	v13 =	vand.u32 $0x7FFFFFFF, v13  }
0x9e: {  	v19 =	vld [tilespmem:s31+$0x8230];
	v9 =	vsub.f32 v23, v62;
	v11 =	vmul.f32 v15, v17;
	v17 =	vmin.f32 v13, $1.000000000e+00  }
0x9f: {  	v14 =	vmul.f32 v14, v22;
	v18 =	vsub.f32 v21, v18;
	v15 =	vld [tilespmem:s31+$0x10230];
	v21 =	vmul.f32 $5.000000000e-01, v17  }
0xa0: {  	v5 =	vadd.f32 v12, v6;
	v12 =	vld [tilespmem:s31+$0x10280]  }
0xa1: {  	v20 =	vld [tilespmem:s31+$0x8280];
	v9 =	vand.u32 $0x7FFFFFFF, v9;
	v6 =	vadd.f32 v14, v8;
	v13 =	vsub.f32 v13, v21  }
0xa2: {  	v23 =	vld [tilespmem:s31+$0x8290];
	v22 =	vmin.f32 v9, $1.000000000e+00;
	v18 =	vand.u32 $0x7FFFFFFF, v18;
	v10 =	vsub.f32 v10, v16  }
0xa3: {  	v1 =	vadd.f32 v11, v1;
	v11 =	vmul.f32 $5.000000000e-01, v22;
	v21 =	vld [tilespmem:s31+$0x10290];
	v14 =	vmul.f32 v13, v17  }
0xa4: {  	v8 =	vmin.f32 v18, $1.000000000e+00;
	v63 =	vand.u32 $0x7FFFFFFF, v10;
	v10 =	vsub.f32 v19, v15;
	v17 =	vld [tilespmem:s31+$0x102A0]  }
0xa5: {  	v11 =	vsub.f32 v9, v11;
	v15 =	vmul.f32 $5.000000000e-01, v8;
	v2 =	vadd.f32 v14, v2;
	v14 =	vld [tilespmem:s31+$0x82A0]  }
0xa6: {  	v9 =	vmin.f32 v63, $1.000000000e+00;
	v13 =	vand.u32 $0x7FFFFFFF, v10;
	v10 =	vsub.f32 v20, v12  }
0xa7: {  	v11 =	vmul.f32 v11, v22;
	v16 =	vsub.f32 v18, v15;
	v15 =	vmul.f32 $5.000000000e-01, v9  }
0xa8: {  	s20 =	simm.s32 $0x100;
	v12 =	vmin.f32 v13, $1.000000000e+00;
	v21 =	vsub.f32 v23, v21;
	v18 =	vand.u32 $0x7FFFFFFF, v10  }
0xa9: {  	s21 =	simm.s32 $0x800;
	v20 =	vmul.f32 $5.000000000e-01, v12;
	v10 =	vld [tilespmem:s20+$0x82B0];
	v19 =	vsub.f32 v63, v15;
	v15 =	vmin.f32 v18, $1.000000000e+00  }
.LBB2_6:
0xaa: {  	p0 =	sne.s32 s21, $0xFC00;
	v22 =	vld [tilespmem:s20+$0x102B0];
	v23 =	vmul.f32 $5.000000000e-01, v15;
	v21 =	vand.u32 $0x7FFFFFFF, v21;
	v14 =	vsub.f32 v14, v17  }
0xab: {  	v8 =	vmul.f32 v16, v8;
	v13 =	vsub.f32 v13, v20;
	v17 =	vld [tilespmem:s20+$0x8200];
	v16 =	vmin.f32 v21, $1.000000000e+00  }
0xac: {  	v20 =	vld [tilespmem:s20+$0x10200];
	v18 =	vsub.f32 v18, v23;
	v23 =	vmul.f32 $5.000000000e-01, v16;
	v14 =	vand.u32 $0x7FFFFFFF, v14  }
0xad: {  	v9 =	vmul.f32 v19, v9;
	v12 =	vmul.f32 v13, v12;
	v24 =	vld [tilespmem:s20+$0x8210];
	v13 =	vmin.f32 v14, $1.000000000e+00  }
0xae: {  	v19 =	vld [tilespmem:s20+$0x10210];
	v15 =	vmul.f32 v18, v15;
	v18 =	vsub.f32 v21, v23;
	v21 =	vmul.f32 $5.000000000e-01, v13  }
0xaf: {  	v3 =	vadd.f32 v11, v3;
	v23 =	vld [tilespmem:s20+$0x8220];
	v10 =	vsub.f32 v10, v22  }
0xb0: {  	v7 =	vadd.f32 v8, v7;
	v11 =	vld [tilespmem:s20+$0x10220];
	v8 =	vmul.f32 v18, v16;
	v14 =	vsub.f32 v14, v21  }
0xb1: {  	v0 =	vadd.f32 v9, v0;
	v16 =	vsub.f32 v17, v20;
	v17 =	vld [tilespmem:s20+$0x8230];
	v10 =	vand.u32 $0x7FFFFFFF, v10  }
0xb2: {  	v4 =	vadd.f32 v12, v4;
	v9 =	vld [tilespmem:s20+$0x10230];
	v18 =	vmin.f32 v10, $1.000000000e+00;
	v12 =	vmul.f32 v14, v13  }
0xb3: {  	v13 =	vand.u32 $0x7FFFFFFF, v16;
	v14 =	vsub.f32 v24, v19;
	v16 =	vld [tilespmem:s20+$0x8280];
	v19 =	vmul.f32 $5.000000000e-01, v18  }
0xb4: {  	v5 =	vadd.f32 v15, v5;
	v6 =	vadd.f32 v8, v6;
	v22 =	vmin.f32 v13, $1.000000000e+00;
	v20 =	vld [tilespmem:s20+$0x10280]  }
0xb5: {  	v15 =	vand.u32 $0x7FFFFFFF, v14;
	v11 =	vsub.f32 v23, v11;
	v21 =	vld [tilespmem:s20+$0x8290];
	v10 =	vsub.f32 v10, v19  }
0xb6: {  	v1 =	vadd.f32 v12, v1;
	v19 =	vmul.f32 $5.000000000e-01, v22;
	v8 =	vmin.f32 v15, $1.000000000e+00;
	v23 =	vld [tilespmem:s20+$0x10290]  }
0xb7: {  	v24 =	vand.u32 $0x7FFFFFFF, v11;
	v11 =	vsub.f32 v17, v9;
	v14 =	vld [tilespmem:s20+$0x82A0];
	v10 =	vmul.f32 v10, v18  }
.Ltmp2:
0xb8: {  	v19 =	vsub.f32 v13, v19;
	v12 =	vmul.f32 $5.000000000e-01, v8;
	v9 =	vmin.f32 v24, $1.000000000e+00;
	v17 =	vld [tilespmem:s20+$0x102A0];
	(pc) =	sbr.rel @p0 .LBB2_6-.Ltmp2, $4  }
0xb9: {  	v13 =	vand.u32 $0x7FFFFFFF, v11;
	v11 =	vsub.f32 v16, v20;
	v2 =	vadd.f32 v10, v2  }
0xba: {  	v16 =	vsub.f32 v15, v12;
	v15 =	vmul.f32 $5.000000000e-01, v9;
	v12 =	vmin.f32 v13, $1.000000000e+00  }
0xbb: {  	s20 =	sshra.s32 s21, $0x2;
	v20 =	vmul.f32 $5.000000000e-01, v12;
	v18 =	vand.u32 $0x7FFFFFFF, v11;
	v21 =	vsub.f32 v21, v23  }
0xbc: {  	s21 =	sadd.s32 $0x400, s21;
	v11 =	vmul.f32 v19, v22;
	v19 =	vsub.f32 v24, v15;
	v10 =	vld [tilespmem:s20+$0x82B0];
	v15 =	vmin.f32 v18, $1.000000000e+00  }
0xbd: {  	v22 =	vld [tilespmem:s20+$0x102B0];
	v21 =	vand.u32 $0x7FFFFFFF, v21;
	v23 =	vmul.f32 $5.000000000e-01, v15  }
0xbe: {  	v14 =	vsub.f32 v14, v17;
	v17 =	vld [tilespmem:s20+$0x8200];
	v8 =	vmul.f32 v16, v8;
	v13 =	vsub.f32 v13, v20  }
0xbf: {  	v16 =	vld [tilespmem:s20+$0x10200];
	v24 =	vmin.f32 v21, $1.000000000e+00;
	v9 =	vmul.f32 v19, v9;
	v3 =	vadd.f32 v11, v3  }
0xc0: {  	v19 =	vld [tilespmem:s20+$0x10210];
	v20 =	vmul.f32 $5.000000000e-01, v24;
	v18 =	vsub.f32 v18, v23;
	v14 =	vand.u32 $0x7FFFFFFF, v14  }
0xc1: {  	v11 =	vld [tilespmem:s20+$0x10220];
	v12 =	vmul.f32 v13, v12;
	v7 =	vadd.f32 v8, v7;
	v13 =	vmin.f32 v14, $1.000000000e+00  }
0xc2: {  	v23 =	vld [tilespmem:s20+$0x8210];
	v0 =	vadd.f32 v9, v0;
	v15 =	vmul.f32 v18, v15;
	v18 =	vmul.f32 $5.000000000e-01, v13  }
0xc3: {  	v20 =	vsub.f32 v21, v20;
	v21 =	vld [tilespmem:s20+$0x8220];
	v10 =	vsub.f32 v10, v22  }
0xc4: {  	v9 =	vld [tilespmem:s20+$0x10230];
	v4 =	vadd.f32 v12, v4;
	v14 =	vsub.f32 v14, v18  }
0xc5: {  	v16 =	vsub.f32 v17, v16;
	v17 =	vld [tilespmem:s20+$0x8230];
	v8 =	vmul.f32 v20, v24;
	v10 =	vand.u32 $0x7FFFFFFF, v10  }
0xc6: {  	v22 =	vld [tilespmem:s20+$0x10280];
	v5 =	vadd.f32 v15, v5;
	v18 =	vmin.f32 v10, $1.000000000e+00;
	v12 =	vmul.f32 v14, v13  }
0xc7: {  	v13 =	vand.u32 $0x7FFFFFFF, v16;
	v14 =	vsub.f32 v23, v19;
	v16 =	vld [tilespmem:s20+$0x8280];
	v6 =	vadd.f32 v8, v6  }
0xc8: {  	v19 =	vmul.f32 $5.000000000e-01, v18;
	v20 =	vmin.f32 v13, $1.000000000e+00;
	v11 =	vsub.f32 v21, v11;
	v21 =	vld [tilespmem:s20+$0x10290]  }
0xc9: {  	v8 =	vand.u32 $0x7FFFFFFF, v14;
	v14 =	vld [tilespmem:s20+$0x8290];
	v15 =	vmul.f32 $5.000000000e-01, v20;
	v1 =	vadd.f32 v12, v1  }
0xca: {  	v9 =	vsub.f32 v17, v9;
	v12 =	vld [tilespmem:s20+$0x82A0];
	v10 =	vsub.f32 v10, v19  }
0xcb: {  	v17 =	vld [tilespmem:s20+$0x102A0];
	v19 =	vmin.f32 v8, $1.000000000e+00;
	v11 =	vand.u32 $0x7FFFFFFF, v11;
	v13 =	vsub.f32 v13, v15  }
0xcc: {  	v15 =	vmul.f32 $5.000000000e-01, v19;
	v9 =	vand.u32 $0x7FFFFFFF, v9;
	v10 =	vmul.f32 v10, v18  }
0xcd: {  	_ =	swait.ge [sflag:s16], $0x4000;
	v18 =	vmin.f32 v11, $1.000000000e+00;
	v16 =	vsub.f32 v16, v22;
	v22 =	vmin.f32 v9, $1.000000000e+00  }
0xce: {  	[sflag:s16] =	ssyncset.done $0x0;
	v8 =	vsub.f32 v8, v15;
	v15 =	vmul.f32 $5.000000000e-01, v22;
	v10 =	vadd.f32 v10, v2  }
0xcf: {  	s31 =	simm.s32 $0x0;
	[sflag:s16] =	ssyncadd.s32 $0xFFFFC000;
	v2 =	vmul.f32 $5.000000000e-01, v18;
	v14 =	vsub.f32 v14, v21;
	v16 =	vand.u32 $0x7FFFFFFF, v16  }
0xd0: {  	v13 =	vmul.f32 v13, v20;
	v12 =	vsub.f32 v12, v17;
	v17 =	vld [tilespmem:s31+$0x142B0];
	v20 =	vmin.f32 v16, $1.000000000e+00  }
0xd1: {  	v8 =	vmul.f32 v8, v19;
	v2 =	vsub.f32 v11, v2;
	v11 =	vld [tilespmem:s31+$0xC2B0];
	v14 =	vand.u32 $0x7FFFFFFF, v14  }
0xd2: {  	v23 =	vld [tilespmem:s31+$0xC200];
	v9 =	vsub.f32 v9, v15;
	v3 =	vadd.f32 v13, v3;
	v19 =	vmin.f32 v14, $1.000000000e+00  }
0xd3: {  	v62 =	vld [tilespmem:s31+$0x14200];
	v21 =	vmul.f32 $5.000000000e-01, v20;
	v12 =	vand.u32 $0x7FFFFFFF, v12;
	v15 =	vmul.f32 $5.000000000e-01, v19  }
0xd4: {  	v9 =	vmul.f32 v9, v22;
	v22 =	vld [tilespmem:s31+$0x14210];
	v2 =	vmul.f32 v2, v18;
	v18 =	vmin.f32 v12, $1.000000000e+00  }
0xd5: {  	v16 =	vsub.f32 v16, v21;
	v21 =	vld [tilespmem:s31+$0xC210];
	v14 =	vsub.f32 v14, v15;
	v15 =	vmul.f32 $5.000000000e-01, v18  }
0xd6: {  	v13 =	vld [tilespmem:s31+$0xC220];
	v7 =	vadd.f32 v8, v7;
	v11 =	vsub.f32 v11, v17  }
0xd7: {  	v4 =	vadd.f32 v9, v4;
	v8 =	vmul.f32 v14, v19;
	v12 =	vsub.f32 v12, v15;
	v14 =	vld [tilespmem:s31+$0x14220]  }
0xd8: {  	v16 =	vmul.f32 v16, v20;
	v2 =	vadd.f32 v2, v0;
	v15 =	vld [tilespmem:s31+$0xC230];
	v11 =	vand.u32 $0x7FFFFFFF, v11  }
0xd9: {  	v0 =	vsub.f32 v23, v62;
	v9 =	vmul.f32 v12, v18;
	v12 =	vld [tilespmem:s31+$0x14230];
	v17 =	vmin.f32 v11, $1.000000000e+00  }
0xda: {  	v19 =	vld [tilespmem:s31+$0xC280];
	v18 =	vsub.f32 v21, v22;
	v20 =	vmul.f32 $5.000000000e-01, v17  }
0xdb: {  	v0 =	vand.u32 $0x7FFFFFFF, v0;
	v5 =	vadd.f32 v16, v5;
	v16 =	vld [tilespmem:s31+$0x14280]  }
0xdc: {  	v6 =	vadd.f32 v8, v6;
	v18 =	vand.u32 $0x7FFFFFFF, v18;
	v11 =	vsub.f32 v11, v20  }
0xdd: {  	v23 =	vld [tilespmem:s31+$0x14290];
	v22 =	vmin.f32 v0, $1.000000000e+00;
	v13 =	vsub.f32 v13, v14;
	v8 =	vmin.f32 v18, $1.000000000e+00  }
0xde: {  	v21 =	vld [tilespmem:s31+$0xC290];
	v12 =	vsub.f32 v15, v12;
	v11 =	vmul.f32 v11, v17;
	v17 =	vmul.f32 $5.000000000e-01, v8  }
0xdf: {  	v1 =	vadd.f32 v9, v1;
	v9 =	vmul.f32 $5.000000000e-01, v22;
	v14 =	vld [tilespmem:s31+$0xC2A0];
	v63 =	vand.u32 $0x7FFFFFFF, v13  }
0xe0: {  	v13 =	vand.u32 $0x7FFFFFFF, v12;
	v12 =	vsub.f32 v19, v16;
	v16 =	vsub.f32 v18, v17;
	v18 =	vld [tilespmem:s31+$0x142A0]  }
0xe1: {  	v15 =	vsub.f32 v0, v9;
	v9 =	vmin.f32 v63, $1.000000000e+00  }
0xe2: {  	v0 =	vadd.f32 v11, v10;
	v19 =	vmul.f32 $5.000000000e-01, v9;
	v11 =	vmin.f32 v13, $1.000000000e+00  }
0xe3: {  	s20 =	simm.s32 $0x100;
	v21 =	vsub.f32 v21, v23;
	v20 =	vmul.f32 $5.000000000e-01, v11;
	v17 =	vand.u32 $0x7FFFFFFF, v12  }
0xe4: {  	s21 =	simm.s32 $0x800;
	v10 =	vld [tilespmem:s20+$0xC2B0];
	v12 =	vmul.f32 v15, v22;
	v19 =	vsub.f32 v63, v19;
	v15 =	vmin.f32 v17, $1.000000000e+00  }
.LBB2_8:
0xe5: {  	p0 =	sne.s32 s21, $0xFC00;
	v22 =	vld [tilespmem:s20+$0x142B0];
	v23 =	vmul.f32 $5.000000000e-01, v15;
	v21 =	vand.u32 $0x7FFFFFFF, v21;
	v14 =	vsub.f32 v14, v18  }
0xe6: {  	v8 =	vmul.f32 v16, v8;
	v13 =	vsub.f32 v13, v20;
	v18 =	vld [tilespmem:s20+$0xC200];
	v16 =	vmin.f32 v21, $1.000000000e+00  }
0xe7: {  	v20 =	vld [tilespmem:s20+$0x14200];
	v17 =	vsub.f32 v17, v23;
	v23 =	vmul.f32 $5.000000000e-01, v16;
	v14 =	vand.u32 $0x7FFFFFFF, v14  }
0xe8: {  	v9 =	vmul.f32 v19, v9;
	v11 =	vmul.f32 v13, v11;
	v24 =	vld [tilespmem:s20+$0xC210];
	v13 =	vmin.f32 v14, $1.000000000e+00  }
0xe9: {  	v19 =	vld [tilespmem:s20+$0x14210];
	v15 =	vmul.f32 v17, v15;
	v17 =	vsub.f32 v21, v23;
	v21 =	vmul.f32 $5.000000000e-01, v13  }
0xea: {  	v3 =	vadd.f32 v12, v3;
	v23 =	vld [tilespmem:s20+$0xC220];
	v10 =	vsub.f32 v10, v22  }
0xeb: {  	v7 =	vadd.f32 v8, v7;
	v12 =	vld [tilespmem:s20+$0x14220];
	v8 =	vmul.f32 v17, v16;
	v14 =	vsub.f32 v14, v21  }
0xec: {  	v2 =	vadd.f32 v9, v2;
	v16 =	vsub.f32 v18, v20;
	v17 =	vld [tilespmem:s20+$0xC230];
	v10 =	vand.u32 $0x7FFFFFFF, v10  }
0xed: {  	v4 =	vadd.f32 v11, v4;
	v9 =	vld [tilespmem:s20+$0x14230];
	v18 =	vmin.f32 v10, $1.000000000e+00;
	v11 =	vmul.f32 v14, v13  }
0xee: {  	v13 =	vand.u32 $0x7FFFFFFF, v16;
	v14 =	vsub.f32 v24, v19;
	v16 =	vld [tilespmem:s20+$0xC280];
	v19 =	vmul.f32 $5.000000000e-01, v18  }
0xef: {  	v5 =	vadd.f32 v15, v5;
	v6 =	vadd.f32 v8, v6;
	v22 =	vmin.f32 v13, $1.000000000e+00;
	v20 =	vld [tilespmem:s20+$0x14280]  }
0xf0: {  	v15 =	vand.u32 $0x7FFFFFFF, v14;
	v12 =	vsub.f32 v23, v12;
	v21 =	vld [tilespmem:s20+$0xC290];
	v10 =	vsub.f32 v10, v19  }
0xf1: {  	v1 =	vadd.f32 v11, v1;
	v19 =	vmul.f32 $5.000000000e-01, v22;
	v8 =	vmin.f32 v15, $1.000000000e+00;
	v23 =	vld [tilespmem:s20+$0x14290]  }
0xf2: {  	v24 =	vand.u32 $0x7FFFFFFF, v12;
	v11 =	vsub.f32 v17, v9;
	v14 =	vld [tilespmem:s20+$0xC2A0];
	v10 =	vmul.f32 v10, v18  }
.Ltmp3:
0xf3: {  	v12 =	vsub.f32 v13, v19;
	v17 =	vmul.f32 $5.000000000e-01, v8;
	v9 =	vmin.f32 v24, $1.000000000e+00;
	v18 =	vld [tilespmem:s20+$0x142A0];
	(pc) =	sbr.rel @p0 .LBB2_8-.Ltmp3, $4  }
0xf4: {  	v13 =	vand.u32 $0x7FFFFFFF, v11;
	v19 =	vsub.f32 v16, v20;
	v0 =	vadd.f32 v10, v0  }
0xf5: {  	v16 =	vsub.f32 v15, v17;
	v15 =	vmul.f32 $5.000000000e-01, v9;
	v11 =	vmin.f32 v13, $1.000000000e+00  }
0xf6: {  	s20 =	sshra.s32 s21, $0x2;
	v20 =	vmul.f32 $5.000000000e-01, v11;
	v17 =	vand.u32 $0x7FFFFFFF, v19;
	v21 =	vsub.f32 v21, v23  }
0xf7: {  	s21 =	sadd.s32 $0x400, s21;
	v12 =	vmul.f32 v12, v22;
	v19 =	vsub.f32 v24, v15;
	v10 =	vld [tilespmem:s20+$0xC2B0];
	v15 =	vmin.f32 v17, $1.000000000e+00  }
0xf8: {  	v22 =	vld [tilespmem:s20+$0x142B0]  }
0xf9: {  	v56 =	vld [tilespmem:s20+$0xC200]  }
0xfa: {  	v24 =	vld [tilespmem:s20+$0x14200]  }
0xfb: {  	v25 =	vld [tilespmem:s20+$0xC210]  }
0xfc: {  	v60 =	vld [tilespmem:s20+$0x14210]  }
0xfd: {  	v63 =	vld [tilespmem:s20+$0xC220]  }
0xfe: {  	v27 =	vld [tilespmem:s20+$0x14220]  }
0xff: {  	v30 =	vld [tilespmem:s20+$0xC230]  }
0x100: {  	v32 =	vld [tilespmem:s20+$0x14230]  }
0x101: {  	v21 =	vand.u32 $0x7FFFFFFF, v21;
	v14 =	vsub.f32 v14, v18;
	v23 =	vmul.f32 $5.000000000e-01, v15;
	v35 =	vld [tilespmem:s20+$0xC280]  }
0x102: {  	v8 =	vmul.f32 v16, v8;
	v13 =	vsub.f32 v13, v20;
	v38 =	vld [tilespmem:s20+$0x14280];
	v57 =	vmin.f32 v21, $1.000000000e+00  }
0x103: {  	v40 =	vld [tilespmem:s20+$0xC290];
	v9 =	vmul.f32 v19, v9;
	v3 =	vadd.f32 v12, v3;
	v58 =	vmul.f32 $5.000000000e-01, v57  }
0x104: {  	v42 =	vld [tilespmem:s20+$0x14290];
	v17 =	vsub.f32 v17, v23;
	v11 =	vmul.f32 v13, v11;
	v7 =	vadd.f32 v8, v7  }
0x105: {  	v45 =	vld [tilespmem:s20+$0xC2A0];
	v14 =	vand.u32 $0x7FFFFFFF, v14;
	v2 =	vadd.f32 v9, v2;
	v61 =	vsub.f32 v21, v58  }
0x106: {  	v48 =	vld [tilespmem:s20+$0x142A0];
	v59 =	vmin.f32 v14, $1.000000000e+00;
	v4 =	vadd.f32 v11, v4;
	v10 =	vsub.f32 v10, v22  }
0x107: {  	v62 =	vmul.f32 $5.000000000e-01, v59;
	v31 =	vsub.f32 v56, v24;
	v36 =	vsub.f32 v25, v60  }
0x108: {  	v26 =	vmul.f32 v17, v15;
	v12 =	vsub.f32 v63, v27;
	v9 =	vsub.f32 v30, v32  }
0x109: {  	v13 =	vsub.f32 v35, v38;
	v8 =	vsub.f32 v40, v42  }
0x10a: {  	v28 =	vmul.f32 v61, v57;
	v29 =	vsub.f32 v14, v62;
	v5 =	vadd.f32 v26, v5  }
0x10b: {  	v14 =	vsub.f32 v45, v48;
	v10 =	vand.u32 $0x7FFFFFFF, v10;
	v16 =	vand.u32 $0x7FFFFFFF, v31  }
0x10c: {  	v41 =	vand.u32 $0x7FFFFFFF, v36;
	v46 =	vand.u32 $0x7FFFFFFF, v12;
	v9 =	vand.u32 $0x7FFFFFFF, v9  }
0x10d: {  	v13 =	vand.u32 $0x7FFFFFFF, v13;
	v8 =	vand.u32 $0x7FFFFFFF, v8;
	v33 =	vmin.f32 v10, $1.000000000e+00  }
0x10e: {  	v34 =	vmul.f32 v29, v59;
	v39 =	vmin.f32 v16, $1.000000000e+00;
	v6 =	vadd.f32 v28, v6  }
0x10f: {  	v44 =	vmin.f32 v41, $1.000000000e+00;
	v49 =	vmin.f32 v46, $1.000000000e+00;
	v50 =	vmin.f32 v9, $1.000000000e+00  }
0x110: {  	v53 =	vmin.f32 v13, $1.000000000e+00;
	v37 =	vmul.f32 $5.000000000e-01, v33;
	v43 =	vmul.f32 $5.000000000e-01, v39  }
0x111: {  	v55 =	vmin.f32 v8, $1.000000000e+00;
	v47 =	vmul.f32 $5.000000000e-01, v44;
	v51 =	vmul.f32 $5.000000000e-01, v49  }
0x112: {  	v14 =	vand.u32 $0x7FFFFFFF, v14;
	v52 =	vmul.f32 $5.000000000e-01, v50;
	v54 =	vmul.f32 $5.000000000e-01, v53  }
0x113: {  	v56 =	vmul.f32 $5.000000000e-01, v55;
	v57 =	vmin.f32 v14, $1.000000000e+00;
	v16 =	vsub.f32 v16, v43  }
0x114: {  	v1 =	vadd.f32 v34, v1;
	v58 =	vmul.f32 $5.000000000e-01, v57;
	v12 =	vsub.f32 v41, v47  }
0x115: {  	v10 =	vsub.f32 v10, v37;
	v11 =	vsub.f32 v46, v51;
	v16 =	vmul.f32 v16, v39  }
0x116: {  	v9 =	vsub.f32 v9, v52;
	v13 =	vsub.f32 v13, v54;
	v12 =	vmul.f32 v12, v44  }
0x117: {  	v8 =	vsub.f32 v8, v56;
	v11 =	vmul.f32 v11, v49;
	v3 =	vadd.f32 v16, v3  }
0x118: {  	v59 =	vsub.f32 v14, v58;
	v9 =	vmul.f32 v9, v50;
	v7 =	vadd.f32 v12, v7  }
0x119: {  	v13 =	vmul.f32 v13, v53;
	v2 =	vadd.f32 v11, v2;
	v3 =	vmul.f32 $6.103515630e-05, v3  }
0x11a: {  	v8 =	vmul.f32 v8, v55;
	v4 =	vadd.f32 v9, v4;
	v7 =	vmul.f32 $6.103515630e-05, v7  }
0x11b: {  	v61 =	vmul.f32 v10, v33;
	v5 =	vadd.f32 v13, v5;
	v2 =	vmul.f32 $6.103515630e-05, v2;
	[tilespmem:$0x18200] =	vst v3  }
0x11c: {  	v60 =	vmul.f32 v59, v57;
	v6 =	vadd.f32 v8, v6;
	v4 =	vmul.f32 $6.103515630e-05, v4;
	[tilespmem:$0x18210] =	vst v7  }
0x11d: {  	v0 =	vadd.f32 v61, v0;
	v62 =	vmul.f32 $6.103515630e-05, v5;
	[tilespmem:$0x18220] =	vst v2  }
0x11e: {  	v1 =	vadd.f32 v60, v1;
	v63 =	vmul.f32 $6.103515630e-05, v6;
	[tilespmem:$0x18230] =	vst v4  }
0x11f: {  	v0 =	vmul.f32 $6.103515630e-05, v0;
	[tilespmem:$0x18240] =	vst v62  }
0x120: {  	s19 =	sadd.s32 $0x1, s19;
	v1 =	vmul.f32 $6.103515630e-05, v1;
	[tilespmem:$0x18250] =	vst v63  }
0x121: {  	p0 =	sne.s32 s19, s7;
	[tilespmem:$0x18270] =	vst v0  }
.Ltmp4:
0x122: {  	[tilespmem:$0x18260] =	vst v1;
	(pc) =	sbr.rel @p0 .LBB2_1-.Ltmp4, $4  }
0x123: {  	[hbm4b:s6+s2] =	stream.linear.scatter [tilespmem:s18], [sflag:$0x4], $0x80, $0x38;
	[tilespmem:$0x18280] =	vst v63  }
0x124: {  	_ =	swait.ge [sflag:s9], $0x80  }
0x125: {  	[sflag:s9] =	ssyncset.done $0x0  }
0x126: {  	[sflag:s9] =	ssyncadd.s32 $0xFFFFFF80  }
0x127: {  	_ =	sfence.sel $0x180000  }
0x128: {  	[bflag:$0x0] =	sbarrier.arrive $0xFFFF  }
0x129: {  	p0 =	sne.s32 s0, $0x0;
	_ =	strace $0x90000047  }
0x12a: {  	s0 =	sadd.s32 @!p0 $0x100000, s1;
	[bflag:$0x2] =	sbarrier.arrive $0xFFFF  }
0x12b: {  	[sflag:s0] =	ssyncadd.tile.s32 @!p0 $0x1;
	_ =	shalt  }
.Lfunc_end2:
_tile_overlayer_lowered:
.L_overlay_start_2:
0x12c: {  	(tag) =	ssettag $0x2  }
0x12d: {  	s0 =	rddreg [dreg:$0x0];
	s2 =	stileid.u32  }
0x12e: {  	s1 =	rddreg [dreg:$0x1];
	p0 =	sne.s32 s2, $0x0  }
0x12f: {  	s3 =	rddreg [dreg:$0x2];
	[bflag:$0x3] =	sbarrier.arrive $0xFFFF;
	s2 =	simm.s32 @!p0 $0x1C04  }
0x130: {  	[timem:s3], [sflag:s2] =	dma.local @!p0 [hbm:s0], s1  }
0x131: {  	s0 =	simm.s32 @!p0 $0x4  }
0x132: {  	_ =	swait.ge @!p0 [sflag:s0], s1  }
0x133: {  	s1 =	ssub.s32 @!p0 $0x0, s1;
	[sflag:s0] =	ssyncset.done @!p0 $0x0  }
0x134: {  	[sflag:s0] =	ssyncadd.s32 @!p0 s1  }
0x135: {  	[bflag:$0x3] =	sbarrier.arrive $0xFFFF  }
0x136: {  	_ =	shalt  }

</sc_bundles>
